<compile_context>
chip_gen: v7x
topology: tpu7x:2x2x1
jax: 0.10.2.dev20260603
libtpu: 0.0.44.dev20260713+nightly
codegen_flags: <defaults>
</compile_context>

<pallas_src>
import functools

import jax
import jax.numpy as jnp
from jax import lax
from jax.experimental import pallas as pl
from jax.experimental.pallas import tpu as pltpu
from jax.experimental.pallas import tpu_sc as plsc

D = 1024
GROUP = 64
L = 16
CH = 16
NSLOT = 3
UNROLL = 8


def _sc_body(x_hbm, sel_hbm, pe_hbm, out_hbm,
             pe_v, sel_v, perm_v, pev_v,
             *scratch, rows_per_worker):
    c = rows_per_worker
    ng = c // L
    bufs = list(scratch[0:NSLOT])
    ssts = list(scratch[NSLOT:2 * NSLOT])
    tsts = list(scratch[2 * NSLOT:3 * NSLOT])
    gsems = list(scratch[3 * NSLOT:4 * NSLOT])
    ssems = list(scratch[4 * NSLOT:5 * NSLOT])

    nc = 2
    wid = lax.axis_index("s") * nc + lax.axis_index("c")
    base = wid * c
    pltpu.sync_copy(pe_hbm, pe_v)
    pltpu.sync_copy(sel_hbm.at[pl.ds(base, c)], sel_v)
    iota = lax.iota(jnp.int32, L)

    def comp_body(j, carry):
        om, ou = carry
        vsel = sel_v[pl.ds(j * L, L)]
        vm = vsel >= 0
        vm32 = vm.astype(jnp.int32)
        inc = plsc.cumsum(vm32)
        incu = plsc.cumsum(1 - vm32)
        pos_m = inc + (om - 1)
        pos_u = (ou + 1) - incu
        rows = iota + (base + j * L)
        plsc.store_scatter(perm_v, [pos_m], rows, mask=vm)
        plsc.store_scatter(pev_v, [pos_m], vsel, mask=vm)
        plsc.store_scatter(perm_v, [pos_u], rows, mask=jnp.logical_not(vm))
        cm = jnp.sum(vm32)
        return om + cm, ou - (L - cm)

    nm, _ = lax.fori_loop(0, ng, comp_body,
                          (jnp.int32(0), jnp.int32(c - 1)))
    nu = c - nm

    fill_m = jnp.full((L,), jnp.maximum(nm - 1, 0), jnp.int32)
    fillp = plsc.load_gather(pev_v, [fill_m])
    fillt_m = plsc.load_gather(perm_v, [fill_m])
    nch_m = (nm + CH - 1) // CH
    wmax_m = jnp.maximum(nm - CH, 0)
    diag = iota * 65

    def stage_m(t, s):
        w = jnp.minimum(t * CH, wmax_m)
        q = iota < (nm - w)
        pv = jnp.where(q, pev_v[pl.ds(w, L)], fillp)
        tsts[s][...] = jnp.where(q, perm_v[pl.ds(w, L)], fillt_m)
        buf = bufs[s]

        @plsc.parallel_loop(0, D, 1, unroll=UNROLL)
        def _(k):
            off = (diag + k) & (D - 1)
            vals = plsc.load_gather(pe_v, [pv, off])
            plsc.store_scatter(buf, [iota, off], vals)

    fill_u = jnp.full((L,), c - 1, jnp.int32)
    fillt_u = plsc.load_gather(perm_v, [fill_u])
    nch_u = (nu + CH - 1) // CH

    def stage_u(t, s):
        w = jnp.minimum(nm + t * CH, c - CH)
        q = iota >= (nm - w)
        v = jnp.where(q, perm_v[pl.ds(w, L)], fillt_u)
        ssts[s][...] = v
        tsts[s][...] = v

    nch = nch_m + nch_u
    minc = jnp.minimum(nch_m, nch_u)
    min2 = 2 * minc

    def gd(s):
        return pltpu.make_async_copy(x_hbm.at[ssts[s]], bufs[s], gsems[s])

    def sd(s):
        return pltpu.make_async_copy(bufs[s], out_hbm.at[tsts[s]], ssems[s])

    nsup = (nch + NSLOT - 1) // NSLOT + 1

    def sup_body(h, _):
        for b in range(NSLOT):
            t = h * NSLOT + b
            is_m = jnp.where(t < min2, (t % 2) == 0, nch_m > nch_u)
            ordinal = jnp.where(t < min2, t // 2, t - min2 + minc)
            live = t < nch
            @pl.when(jnp.logical_and(t >= NSLOT, t - NSLOT < nch))
            def _():
                sd(b).wait()
            @pl.when(jnp.logical_and(live, is_m))
            def _():
                stage_m(ordinal, b)
                sd(b).start()
            @pl.when(jnp.logical_and(live, jnp.logical_not(is_m)))
            def _():
                stage_u(ordinal, b)
                gd(b).start()
        for b in range(NSLOT):
            t = h * NSLOT + b
            is_m = jnp.where(t < min2, (t % 2) == 0, nch_m > nch_u)
            @pl.when(jnp.logical_and(t < nch, jnp.logical_not(is_m)))
            def _():
                gd(b).wait()
                sd(b).start()
        return 0

    lax.fori_loop(0, nsup, sup_body, 0)


def kernel(x, local_indices, group_mask, pe):
    b, s, d = x.shape
    n = b * s
    nw = 32
    c = n // nw
    x2 = x.reshape(n, d)
    sel = jnp.where(group_mask, local_indices, -1).reshape(n)

    mesh = plsc.VectorSubcoreMesh(core_axis_name="c", subcore_axis_name="s")
    sc_kernel = functools.partial(
        pl.kernel,
        out_type=jax.ShapeDtypeStruct((n, d), jnp.float32),
        mesh=mesh,
        compiler_params=pltpu.CompilerParams(needs_layout_passes=False),
        scratch_types=(
            [pltpu.VMEM((GROUP, d), jnp.float32)]
            + [pltpu.VMEM((c,), jnp.int32)] * 3
            + [pltpu.VMEM((CH, d), jnp.float32)] * NSLOT
            + [pltpu.VMEM((CH,), jnp.int32)] * (2 * NSLOT)
            + [pltpu.SemaphoreType.DMA] * (2 * NSLOT)
        ),
    )(functools.partial(_sc_body, rows_per_worker=c))
    out = sc_kernel(x2, sel, pe)
    return out.reshape(b, s, d)

# --- scband reference (transcript-rebuilt; emitter-appended) ---
"""Pipeline reference for scband-group-positional-encoding-45260365365580 (READ-ONLY COPY).

The authoritative reference and input builder live on the scoring server;
editing this copy changes nothing except your own understanding.
"""

import math
import jax, jax.numpy as jnp
import numpy as np

D_MODEL = 1024
GROUP_SIZE = 64
B, S = 4, 8192

def _build_pe(group_size, d_model):
    pe = np.zeros((group_size, d_model), dtype=np.float32)
    position = np.arange(0, group_size, dtype=np.float32)[:, None]
    div_term = np.exp(np.arange(0, d_model, 2, dtype=np.float32) * (-math.log(10000.0) / d_model))
    pe[:, 0::2] = np.sin(position * div_term)
    pe[:, 1::2] = np.cos(position * div_term)
    return jnp.asarray(pe)

def setup_inputs(seed: int = 0) -> dict:
    key = jax.random.key(seed)
    k1, k2, k3 = jax.random.split(key, 3)
    x = jax.random.normal(k1, (B, S, D_MODEL), dtype=jnp.float32)
    local_indices = jax.random.randint(k2, (B, S), 0, GROUP_SIZE, dtype=jnp.int32)
    group_mask = jax.random.randint(k3, (B, S), 0, 2, dtype=jnp.int32) > 0
    pe = _build_pe(GROUP_SIZE, D_MODEL)
    return {"x": x, "local_indices": local_indices, "group_mask": group_mask, "pe": pe}

def reference(x, local_indices, group_mask, pe):
    # torch: x[group_mask] = pe[local_indices[group_mask]]
    # equivalent dense form: where mask, take pe row at local index, else keep x
    gathered = jnp.take(pe, local_indices, axis=0)  # [B, S, d_model]
    out = jnp.where(group_mask[..., None], gathered, x)
    return out

if __name__ == "__main__":
    import jax
    _d = setup_inputs()
    print(jax.jit(kernel)(*tuple(_d.values())))

</pallas_src>

<mosaic_0001>
#map = affine_map<(d0, d1) -> (0, 0)>
#map1 = affine_map<(d0, d1) -> (0)>
module attributes {stable_mosaic.version = 14 : i64} {
  func.func @_sc_body(%arg0: i32, %arg1: i32, %arg2: memref<32768x1024xf32, #tpu.memory_space<hbm>>, %arg3: memref<32768xi32, #tpu.memory_space<hbm>>, %arg4: memref<64x1024xf32, #tpu.memory_space<hbm>>, %arg5: memref<32768x1024xf32, #tpu.memory_space<hbm>>, %arg6: memref<64x1024xf32, #tpu.memory_space<vmem>>, %arg7: memref<1024xi32, #tpu.memory_space<vmem>>, %arg8: memref<1024xi32, #tpu.memory_space<vmem>>, %arg9: memref<1024xi32, #tpu.memory_space<vmem>>, %arg10: memref<16x1024xf32, #tpu.memory_space<vmem>>, %arg11: memref<16x1024xf32, #tpu.memory_space<vmem>>, %arg12: memref<16x1024xf32, #tpu.memory_space<vmem>>, %arg13: memref<16xi32, #tpu.memory_space<vmem>>, %arg14: memref<16xi32, #tpu.memory_space<vmem>>, %arg15: memref<16xi32, #tpu.memory_space<vmem>>, %arg16: memref<16xi32, #tpu.memory_space<vmem>>, %arg17: memref<16xi32, #tpu.memory_space<vmem>>, %arg18: memref<16xi32, #tpu.memory_space<vmem>>, %arg19: memref<!tpu.dma_semaphore, #tpu.memory_space<semaphore_mem>>, %arg20: memref<!tpu.dma_semaphore, #tpu.memory_space<semaphore_mem>>, %arg21: memref<!tpu.dma_semaphore, #tpu.memory_space<semaphore_mem>>, %arg22: memref<!tpu.dma_semaphore, #tpu.memory_space<semaphore_mem>>, %arg23: memref<!tpu.dma_semaphore, #tpu.memory_space<semaphore_mem>>, %arg24: memref<!tpu.dma_semaphore, #tpu.memory_space<semaphore_mem>>) attributes {dimension_semantics = [#tpu.dimension_semantics<core_parallel>, #tpu.dimension_semantics<subcore_parallel>], iteration_bounds = array<i64: 2, 16>, scalar_prefetch = 0 : i64, scratch_operands = 19 : i64, tpu.core_type = #tpu.core_type<sc_vector_subcore>, window_params = [{transform_indices = #map}, {transform_indices = #map1}, {transform_indices = #map}, {transform_indices = #map}]} {
    %mul3A = arith.constant 2 : i32
    %mul3A_0 = arith.muli %arg1, %mul3A : i32
    %add3A = arith.addi %mul3A_0, %arg0 : i32
    %mul3A_1 = arith.constant 1024 : i32
    %mul3A_2 = arith.muli %add3A, %mul3A_1 : i32
    "tpu.region"() ({
      %run_scoped3A = tpu.sem_alloc : memref<!tpu.dma_semaphore, #tpu.memory_space<semaphore_mem>>
      tpu.enqueue_dma source(%arg4 : memref<64x1024xf32, #tpu.memory_space<hbm>>) target(%arg6 : memref<64x1024xf32, #tpu.memory_space<vmem>>) target_semaphore(%run_scoped3A : memref<!tpu.dma_semaphore, #tpu.memory_space<semaphore_mem>>)
      tpu.wait_dma2 semaphore(%run_scoped3A : memref<!tpu.dma_semaphore, #tpu.memory_space<semaphore_mem>>) src(%arg4 : memref<64x1024xf32, #tpu.memory_space<hbm>>) dst(%arg6 : memref<64x1024xf32, #tpu.memory_space<vmem>>)
      tpu.yield
    }) : () -> ()
    "tpu.region"() ({
      %run_scoped3A = tpu.sem_alloc : memref<!tpu.dma_semaphore, #tpu.memory_space<semaphore_mem>>
      %dma_start3A = tpu.memref_slice %arg3[%mul3A_2] : memref<32768xi32, #tpu.memory_space<hbm>> -> memref<1024xi32, #tpu.memory_space<hbm>>
      %dma_start3A_118 = tpu.memref_slice %arg3[%mul3A_2] : memref<32768xi32, #tpu.memory_space<hbm>> -> memref<1024xi32, #tpu.memory_space<hbm>>
      tpu.enqueue_dma source(%dma_start3A_118 : memref<1024xi32, #tpu.memory_space<hbm>>) target(%arg7 : memref<1024xi32, #tpu.memory_space<vmem>>) target_semaphore(%run_scoped3A : memref<!tpu.dma_semaphore, #tpu.memory_space<semaphore_mem>>)
      %dma_wait3A = tpu.memref_slice %arg3[%mul3A_2] : memref<32768xi32, #tpu.memory_space<hbm>> -> memref<1024xi32, #tpu.memory_space<hbm>>
      %dma_wait3A_119 = tpu.memref_slice %arg3[%mul3A_2] : memref<32768xi32, #tpu.memory_space<hbm>> -> memref<1024xi32, #tpu.memory_space<hbm>>
      tpu.wait_dma2 semaphore(%run_scoped3A : memref<!tpu.dma_semaphore, #tpu.memory_space<semaphore_mem>>) src(%dma_wait3A_119 : memref<1024xi32, #tpu.memory_space<hbm>>) dst(%arg7 : memref<1024xi32, #tpu.memory_space<vmem>>)
      tpu.yield
    }) : () -> ()
    %iota3A = tpu.iota {dimensions = array<i32: 0>} : vector<16xi32>
    %scan3A = arith.constant 0 : i32
    %scan3A_3 = arith.constant 1023 : i32
    %scan3A_4 = arith.constant 0 : i32
    %scan3A_5 = arith.constant 64 : i32
    %scan3A_6 = arith.addi %scan3A_4, %scan3A_5 : i32
    %scan3A_7 = arith.constant 1 : i32
    %scan3A_8:2 = scf.for %scan3A_118 = %scan3A_4 to %scan3A_6 step %scan3A_7 iter_args(%scan3A_119 = %scan3A, %scan3A_120 = %scan3A_3) -> (i32, i32)  : i32 {
      %mul3A_121 = arith.constant 16 : i32
      %mul3A_122 = arith.muli %scan3A_118, %mul3A_121 : i32
      %get3A = arith.index_cast %mul3A_122 : i32 to index
      %get3A_123 = tpu.vector_load %arg7[%get3A] {strides = array<i32>} : memref<1024xi32, #tpu.memory_space<vmem>>, vector<16xi32>,
      %ge3A = arith.constant 0 : i32
      %ge3A_124 = vector.broadcast %ge3A : i32 to vector<16xi32>
      %ge3A_125 = arith.cmpi sge, %get3A_123, %ge3A_124 : vector<16xi32>
      %convert_element_type3A = arith.extui %ge3A_125 : vector<16xi1> to vector<16xi32>
      %broadcast_in_dim3A_126 = arith.constant true
      %broadcast_in_dim3A_127 = vector.broadcast %broadcast_in_dim3A_126 : i1 to vector<16xi1>
      %masked_cumsum3A = tpu.scan <sum>, %convert_element_type3A masked %broadcast_in_dim3A_127 : vector<16xi32>, vector<16xi1> -> vector<16xi32>
      %sub3A_128 = arith.constant 1 : i32
      %sub3A_129 = vector.broadcast %sub3A_128 : i32 to vector<16xi32>
      %sub3A_130 = arith.subi %sub3A_129, %convert_element_type3A : vector<16xi32>
      %broadcast_in_dim3A_131 = arith.constant true
      %broadcast_in_dim3A_132 = vector.broadcast %broadcast_in_dim3A_131 : i1 to vector<16xi1>
      %masked_cumsum3A_133 = tpu.scan <sum>, %sub3A_130 masked %broadcast_in_dim3A_132 : vector<16xi32>, vector<16xi1> -> vector<16xi32>
      %sub3A_134 = arith.constant 1 : i32
      %sub3A_135 = arith.subi %scan3A_119, %sub3A_134 : i32
      %add3A_136 = vector.broadcast %sub3A_135 : i32 to vector<16xi32>
      %add3A_137 = arith.addi %masked_cumsum3A, %add3A_136 : vector<16xi32>
      %add3A_138 = arith.constant 1 : i32
      %add3A_139 = arith.addi %scan3A_120, %add3A_138 : i32
      %sub3A_140 = vector.broadcast %add3A_139 : i32 to vector<16xi32>
      %sub3A_141 = arith.subi %sub3A_140, %masked_cumsum3A_133 : vector<16xi32>
      %mul3A_142 = arith.constant 16 : i32
      %mul3A_143 = arith.muli %scan3A_118, %mul3A_142 : i32
      %add3A_144 = arith.addi %mul3A_2, %mul3A_143 : i32
      %add3A_145 = vector.broadcast %add3A_144 : i32 to vector<16xi32>
      %add3A_146 = arith.addi %iota3A, %add3A_145 : vector<16xi32>
      tpu.vector_store_idx %arg8[%add3A_137], %add3A_146 masked %ge3A_125 : memref<1024xi32, #tpu.memory_space<vmem>>[vector<16xi32>], vector<16xi32>, vector<16xi1>
      tpu.vector_store_idx %arg9[%add3A_137], %get3A_123 masked %ge3A_125 : memref<1024xi32, #tpu.memory_space<vmem>>[vector<16xi32>], vector<16xi32>, vector<16xi1>
      %not3A = arith.constant dense<true> : vector<16xi1>
      %not3A_147 = arith.xori %ge3A_125, %not3A : vector<16xi1>
      tpu.vector_store_idx %arg8[%sub3A_141], %add3A_146 masked %not3A_147 : memref<1024xi32, #tpu.memory_space<vmem>>[vector<16xi32>], vector<16xi32>, vector<16xi1>
      %reduce_sum3A = arith.constant true
      %reduce_sum3A_148 = vector.broadcast %reduce_sum3A : i1 to vector<16xi1>
      %reduce_sum3A_149 = tpu.scan <sum>, %convert_element_type3A masked %reduce_sum3A_148 : vector<16xi32>, vector<16xi1> -> vector<16xi32>
      %reduce_sum3A_150 = vector.extract %reduce_sum3A_149[15] : i32 from vector<16xi32>
      %add3A_151 = arith.addi %scan3A_119, %reduce_sum3A_150 : i32
      %sub3A_152 = arith.constant 16 : i32
      %sub3A_153 = arith.subi %sub3A_152, %reduce_sum3A_150 : i32
      %sub3A_154 = arith.subi %scan3A_120, %sub3A_153 : i32
      scf.yield %add3A_151, %sub3A_154 : i32, i32
    }
    %scan3A_9 = arith.constant 64 : i32
    %sub3A = arith.constant 1024 : i32
    %sub3A_10 = arith.subi %sub3A, %scan3A_8#0 : i32
    %sub3A_11 = arith.constant 1 : i32
    %sub3A_12 = arith.subi %scan3A_8#0, %sub3A_11 : i32
    %max3A = arith.constant 0 : i32
    %max3A_13 = arith.maxsi %sub3A_12, %max3A : i32
    %broadcast_in_dim3A = vector.broadcast %max3A_13 : i32 to vector<16xi32>
    %gather3A = tpu.vector_load_idx %arg9[%broadcast_in_dim3A] : memref<1024xi32, #tpu.memory_space<vmem>>[vector<16xi32>], vector<16xi32>,
    %gather3A_14 = tpu.vector_load_idx %arg8[%broadcast_in_dim3A] : memref<1024xi32, #tpu.memory_space<vmem>>[vector<16xi32>], vector<16xi32>,
    %add3A_15 = arith.constant 16 : i32
    %add3A_16 = arith.addi %scan3A_8#0, %add3A_15 : i32
    %sub3A_17 = arith.constant 1 : i32
    %sub3A_18 = arith.subi %add3A_16, %sub3A_17 : i32
    %jit3A = arith.constant 16 : i32
    %div3A = arith.divsi %sub3A_18, %jit3A : i32
    %sign3A = arith.constant 0 : i32
    %sign3A_19 = arith.cmpi sgt, %sub3A_18, %sign3A : i32
    %sign3A_20 = arith.extui %sign3A_19 : i1 to i32
    %sign3A_21 = arith.constant 0 : i32
    %sign3A_22 = arith.cmpi slt, %sub3A_18, %sign3A_21 : i32
    %sign3A_23 = arith.extui %sign3A_22 : i1 to i32
    %sign3A_24 = arith.subi %sign3A_20, %sign3A_23 : i32
    %sign3A_25 = arith.constant 0 : i32
    %sign3A_26 = arith.cmpi sgt, %jit3A, %sign3A_25 : i32
    %sign3A_27 = arith.extui %sign3A_26 : i1 to i32
    %sign3A_28 = arith.constant 0 : i32
    %sign3A_29 = arith.cmpi slt, %jit3A, %sign3A_28 : i32
    %sign3A_30 = arith.extui %sign3A_29 : i1 to i32
    %sign3A_31 = arith.subi %sign3A_27, %sign3A_30 : i32
    %ne3A = arith.cmpi ne, %sign3A_24, %sign3A_31 : i32
    %rem3A = arith.remsi %sub3A_18, %jit3A : i32
    %ne3A_32 = arith.constant 0 : i32
    %ne3A_33 = arith.cmpi ne, %rem3A, %ne3A_32 : i32
    %and3A = arith.andi %ne3A, %ne3A_33 : i1
    %sub3A_34 = arith.constant 1 : i32
    %sub3A_35 = arith.subi %div3A, %sub3A_34 : i32
    %select_n3A = arith.select %and3A, %sub3A_35, %div3A : i32
    %sub3A_36 = arith.constant 16 : i32
    %sub3A_37 = arith.subi %scan3A_8#0, %sub3A_36 : i32
    %max3A_38 = arith.constant 0 : i32
    %max3A_39 = arith.maxsi %sub3A_37, %max3A_38 : i32
    %mul3A_40 = arith.constant 65 : i32
    %mul3A_41 = vector.broadcast %mul3A_40 : i32 to vector<16xi32>
    %mul3A_42 = arith.muli %iota3A, %mul3A_41 : vector<16xi32>
    %broadcast_in_dim3A_43 = arith.constant 1023 : i32
    %broadcast_in_dim3A_44 = vector.broadcast %broadcast_in_dim3A_43 : i32 to vector<16xi32>
    %gather3A_45 = tpu.vector_load_idx %arg8[%broadcast_in_dim3A_44] : memref<1024xi32, #tpu.memory_space<vmem>>[vector<16xi32>], vector<16xi32>,
    %add3A_46 = arith.constant 16 : i32
    %add3A_47 = arith.addi %sub3A_10, %add3A_46 : i32
    %sub3A_48 = arith.constant 1 : i32
    %sub3A_49 = arith.subi %add3A_47, %sub3A_48 : i32
    %jit3A_50 = arith.constant 16 : i32
    %div3A_51 = arith.divsi %sub3A_49, %jit3A_50 : i32
    %sign3A_52 = arith.constant 0 : i32
    %sign3A_53 = arith.cmpi sgt, %sub3A_49, %sign3A_52 : i32
    %sign3A_54 = arith.extui %sign3A_53 : i1 to i32
    %sign3A_55 = arith.constant 0 : i32
    %sign3A_56 = arith.cmpi slt, %sub3A_49, %sign3A_55 : i32
    %sign3A_57 = arith.extui %sign3A_56 : i1 to i32
    %sign3A_58 = arith.subi %sign3A_54, %sign3A_57 : i32
    %sign3A_59 = arith.constant 0 : i32
    %sign3A_60 = arith.cmpi sgt, %jit3A_50, %sign3A_59 : i32
    %sign3A_61 = arith.extui %sign3A_60 : i1 to i32
    %sign3A_62 = arith.constant 0 : i32
    %sign3A_63 = arith.cmpi slt, %jit3A_50, %sign3A_62 : i32
    %sign3A_64 = arith.extui %sign3A_63 : i1 to i32
    %sign3A_65 = arith.subi %sign3A_61, %sign3A_64 : i32
    %ne3A_66 = arith.cmpi ne, %sign3A_58, %sign3A_65 : i32
    %rem3A_67 = arith.remsi %sub3A_49, %jit3A_50 : i32
    %ne3A_68 = arith.constant 0 : i32
    %ne3A_69 = arith.cmpi ne, %rem3A_67, %ne3A_68 : i32
    %and3A_70 = arith.andi %ne3A_66, %ne3A_69 : i1
    %sub3A_71 = arith.constant 1 : i32
    %sub3A_72 = arith.subi %div3A_51, %sub3A_71 : i32
    %select_n3A_73 = arith.select %and3A_70, %sub3A_72, %div3A_51 : i32
    %add3A_74 = arith.addi %select_n3A, %select_n3A_73 : i32
    %min3A = arith.minsi %select_n3A, %select_n3A_73 : i32
    %mul3A_75 = arith.constant 2 : i32
    %mul3A_76 = arith.muli %mul3A_75, %min3A : i32
    %add3A_77 = arith.constant 3 : i32
    %add3A_78 = arith.addi %add3A_74, %add3A_77 : i32
    %sub3A_79 = arith.constant 1 : i32
    %sub3A_80 = arith.subi %add3A_78, %sub3A_79 : i32
    %jit3A_81 = arith.constant 3 : i32
    %div3A_82 = arith.divsi %sub3A_80, %jit3A_81 : i32
    %sign3A_83 = arith.constant 0 : i32
    %sign3A_84 = arith.cmpi sgt, %sub3A_80, %sign3A_83 : i32
    %sign3A_85 = arith.extui %sign3A_84 : i1 to i32
    %sign3A_86 = arith.constant 0 : i32
    %sign3A_87 = arith.cmpi slt, %sub3A_80, %sign3A_86 : i32
    %sign3A_88 = arith.extui %sign3A_87 : i1 to i32
    %sign3A_89 = arith.subi %sign3A_85, %sign3A_88 : i32
    %sign3A_90 = arith.constant 0 : i32
    %sign3A_91 = arith.cmpi sgt, %jit3A_81, %sign3A_90 : i32
    %sign3A_92 = arith.extui %sign3A_91 : i1 to i32
    %sign3A_93 = arith.constant 0 : i32
    %sign3A_94 = arith.cmpi slt, %jit3A_81, %sign3A_93 : i32
    %sign3A_95 = arith.extui %sign3A_94 : i1 to i32
    %sign3A_96 = arith.subi %sign3A_92, %sign3A_95 : i32
    %ne3A_97 = arith.cmpi ne, %sign3A_89, %sign3A_96 : i32
    %rem3A_98 = arith.remsi %sub3A_80, %jit3A_81 : i32
    %ne3A_99 = arith.constant 0 : i32
    %ne3A_100 = arith.cmpi ne, %rem3A_98, %ne3A_99 : i32
    %and3A_101 = arith.andi %ne3A_97, %ne3A_100 : i1
    %sub3A_102 = arith.constant 1 : i32
    %sub3A_103 = arith.subi %div3A_82, %sub3A_102 : i32
    %select_n3A_104 = arith.select %and3A_101, %sub3A_103, %div3A_82 : i32
    %add3A_105 = arith.constant 1 : i32
    %add3A_106 = arith.addi %select_n3A_104, %add3A_105 : i32
    %while3A = arith.constant 0 : i32
    %while3A_107 = arith.constant 0 : i32
    %while3A_108 = arith.subi %add3A_106, %while3A : i32
    %while3A_109 = arith.addi %while3A, %while3A_108 : i32
    %while3A_110 = arith.constant 1 : i32
    %while3A_111 = arith.divsi %while3A_108, %while3A_110 : i32
    %while3A_112 = arith.muli %while3A_111, %while3A_110 : i32
    %while3A_113 = arith.addi %while3A, %while3A_112 : i32
    %while3A_114 = arith.constant 1 : i32
    %while3A_115 = scf.for %while3A_118 = %while3A to %while3A_113 step %while3A_114 iter_args(%while3A_119 = %while3A_107) -> (i32)  : i32 {
      %mul3A_120 = arith.constant 3 : i32
      %mul3A_121 = arith.muli %while3A_118, %mul3A_120 : i32
      %add3A_122 = arith.constant 0 : i32
      %add3A_123 = arith.addi %mul3A_121, %add3A_122 : i32
      %lt3A = arith.cmpi slt, %add3A_123, %mul3A_76 : i32
      %jit3A_124 = arith.constant 2 : i32
      %eq3A = arith.constant 0 : i32
      %eq3A_125 = arith.cmpi eq, %jit3A_124, %eq3A : i32
      %jit3A_126 = arith.constant 1 : i32
      %select_n3A_127 = arith.select %eq3A_125, %jit3A_126, %jit3A_124 : i32
      %rem3A_128 = arith.remsi %add3A_123, %select_n3A_127 : i32
      %ne3A_129 = arith.constant 0 : i32
      %ne3A_130 = arith.cmpi ne, %rem3A_128, %ne3A_129 : i32
      %lt3A_131 = arith.constant 0 : i32
      %lt3A_132 = arith.cmpi slt, %rem3A_128, %lt3A_131 : i32
      %lt3A_133 = arith.constant 0 : i32
      %lt3A_134 = arith.cmpi slt, %select_n3A_127, %lt3A_133 : i32
      %ne3A_135 = arith.xori %lt3A_132, %lt3A_134 : i1
      %and3A_136 = arith.andi %ne3A_135, %ne3A_130 : i1
      %add3A_137 = arith.addi %rem3A_128, %select_n3A_127 : i32
      %select_n3A_138 = arith.select %and3A_136, %add3A_137, %rem3A_128 : i32
      %eq3A_139 = arith.constant 0 : i32
      %eq3A_140 = arith.cmpi eq, %select_n3A_138, %eq3A_139 : i32
      %gt3A = arith.cmpi sgt, %select_n3A, %select_n3A_73 : i32
      %select_n3A_141 = arith.select %lt3A, %eq3A_140, %gt3A : i1
      %lt3A_142 = arith.cmpi slt, %add3A_123, %mul3A_76 : i32
      %jit3A_143 = arith.constant 2 : i32
      %div3A_144 = arith.divsi %add3A_123, %jit3A_143 : i32
      %sign3A_145 = arith.constant 0 : i32
      %sign3A_146 = arith.cmpi sgt, %add3A_123, %sign3A_145 : i32
      %sign3A_147 = arith.extui %sign3A_146 : i1 to i32
      %sign3A_148 = arith.constant 0 : i32
      %sign3A_149 = arith.cmpi slt, %add3A_123, %sign3A_148 : i32
      %sign3A_150 = arith.extui %sign3A_149 : i1 to i32
      %sign3A_151 = arith.subi %sign3A_147, %sign3A_150 : i32
      %sign3A_152 = arith.constant 0 : i32
      %sign3A_153 = arith.cmpi sgt, %jit3A_143, %sign3A_152 : i32
      %sign3A_154 = arith.extui %sign3A_153 : i1 to i32
      %sign3A_155 = arith.constant 0 : i32
      %sign3A_156 = arith.cmpi slt, %jit3A_143, %sign3A_155 : i32
      %sign3A_157 = arith.extui %sign3A_156 : i1 to i32
      %sign3A_158 = arith.subi %sign3A_154, %sign3A_157 : i32
      %ne3A_159 = arith.cmpi ne, %sign3A_151, %sign3A_158 : i32
      %rem3A_160 = arith.remsi %add3A_123, %jit3A_143 : i32
      %ne3A_161 = arith.constant 0 : i32
      %ne3A_162 = arith.cmpi ne, %rem3A_160, %ne3A_161 : i32
      %and3A_163 = arith.andi %ne3A_159, %ne3A_162 : i1
      %sub3A_164 = arith.constant 1 : i32
      %sub3A_165 = arith.subi %div3A_144, %sub3A_164 : i32
      %select_n3A_166 = arith.select %and3A_163, %sub3A_165, %div3A_144 : i32
      %sub3A_167 = arith.subi %add3A_123, %mul3A_76 : i32
      %add3A_168 = arith.addi %sub3A_167, %min3A : i32
      %select_n3A_169 = arith.select %lt3A_142, %select_n3A_166, %add3A_168 : i32
      %lt3A_170 = arith.cmpi slt, %add3A_123, %add3A_74 : i32
      %ge3A = arith.constant 3 : i32
      %ge3A_171 = arith.cmpi sge, %add3A_123, %ge3A : i32
      %sub3A_172 = arith.constant 3 : i32
      %sub3A_173 = arith.subi %add3A_123, %sub3A_172 : i32
      %lt3A_174 = arith.cmpi slt, %sub3A_173, %add3A_74 : i32
      %and3A_175 = arith.andi %ge3A_171, %lt3A_174 : i1
      %convert_element_type3A = arith.extui %and3A_175 : i1 to i32
      %cond3A = arith.constant 0 : i32
      %cond3A_176 = arith.cmpi ne, %convert_element_type3A, %cond3A : i32
      scf.if %cond3A_176 {
        %dma_wait3A = arith.constant 0 : i32
        %dma_wait3A_429 = arith.constant 0 : i32
        %dma_wait3A_430 = tpu.memref_slice %arg5[%dma_wait3A, %dma_wait3A_429] : memref<32768x1024xf32, #tpu.memory_space<hbm>> -> memref<32768x1024xf32, #tpu.memory_space<hbm>>
        tpu.wait_indirect_dma semaphore(%arg22 : memref<!tpu.dma_semaphore, #tpu.memory_space<semaphore_mem>>) src(%arg10 : memref<16x1024xf32, #tpu.memory_space<vmem>>) dst(%dma_wait3A_430 : memref<32768x1024xf32, #tpu.memory_space<hbm>>)
      } else {
      }
      %and3A_177 = arith.andi %lt3A_170, %select_n3A_141 : i1
      %convert_element_type3A_178 = arith.extui %and3A_177 : i1 to i32
      %cond3A_179 = arith.constant 0 : i32
      %cond3A_180 = arith.cmpi ne, %convert_element_type3A_178, %cond3A_179 : i32
      scf.if %cond3A_180 {
        %mul3A_429 = arith.constant 16 : i32
        %mul3A_430 = arith.muli %select_n3A_169, %mul3A_429 : i32
        %min3A_431 = arith.minsi %mul3A_430, %max3A_39 : i32
        %sub3A_432 = arith.subi %scan3A_8#0, %min3A_431 : i32
        %lt3A_433 = vector.broadcast %sub3A_432 : i32 to vector<16xi32>
        %lt3A_434 = arith.cmpi slt, %iota3A, %lt3A_433 : vector<16xi32>
        %get3A = arith.index_cast %min3A_431 : i32 to index
        %get3A_435 = tpu.vector_load %arg9[%get3A] {strides = array<i32>} : memref<1024xi32, #tpu.memory_space<vmem>>, vector<16xi32>,
        %select_n3A_436 = arith.select %lt3A_434, %get3A_435, %gather3A : vector<16xi1>, vector<16xi32>
        %get3A_437 = arith.index_cast %min3A_431 : i32 to index
        %get3A_438 = tpu.vector_load %arg8[%get3A_437] {strides = array<i32>} : memref<1024xi32, #tpu.memory_space<vmem>>, vector<16xi32>,
        %select_n3A_439 = arith.select %lt3A_434, %get3A_438, %gather3A_14 : vector<16xi1>, vector<16xi32>
        %swap3A = arith.constant 0 : index
        %swap3A_440 = tpu.vector_load %arg16[%swap3A] {strides = array<i32>} : memref<16xi32, #tpu.memory_space<vmem>>, vector<16xi32>,
        tpu.vector_store %arg16[%swap3A], %select_n3A_439 {strides = array<i32>} : memref<16xi32, #tpu.memory_space<vmem>>, vector<16xi32>,
        %parallel_loop3A = arith.constant 0 : i32
        %parallel_loop3A_441 = arith.constant 1024 : i32
        %parallel_loop3A_442 = arith.constant 1 : i32
        scf.for %parallel_loop3A_445 = %parallel_loop3A to %parallel_loop3A_441 step %parallel_loop3A_442  : i32 {
          %parallel_loop3A_446 = vector.broadcast %parallel_loop3A_445 : i32 to vector<16xi32>
          %parallel_loop3A_447 = arith.addi %mul3A_42, %parallel_loop3A_446 : vector<16xi32>
          %parallel_loop3A_448 = arith.constant 1023 : i32
          %parallel_loop3A_449 = vector.broadcast %parallel_loop3A_448 : i32 to vector<16xi32>
          %parallel_loop3A_450 = arith.andi %parallel_loop3A_447, %parallel_loop3A_449 : vector<16xi32>
          %parallel_loop3A_451 = tpu.vector_load_idx %arg6[%select_n3A_436, %parallel_loop3A_450] : memref<64x1024xf32, #tpu.memory_space<vmem>>[vector<16xi32>, vector<16xi32>], vector<16xf32>,
          tpu.vector_store_idx %arg10[%iota3A, %parallel_loop3A_450], %parallel_loop3A_451 : memref<16x1024xf32, #tpu.memory_space<vmem>>[vector<16xi32>, vector<16xi32>], vector<16xf32>,
        } {sc.loop_unroll_factor = 8 : i64, sc.parallel_access}
        %dma_start3A = arith.constant 0 : i32
        %dma_start3A_443 = arith.constant 0 : i32
        %dma_start3A_444 = tpu.memref_slice %arg5[%dma_start3A, %dma_start3A_443] : memref<32768x1024xf32, #tpu.memory_space<hbm>> -> memref<32768x1024xf32, #tpu.memory_space<hbm>>
        tpu.enqueue_indirect_dma source(%arg10 : memref<16x1024xf32, #tpu.memory_space<vmem>>) target(%dma_start3A_444 : memref<32768x1024xf32, #tpu.memory_space<hbm>>) offsets(%arg16 : memref<16xi32, #tpu.memory_space<vmem>>) semaphore(%arg22 : memref<!tpu.dma_semaphore, #tpu.memory_space<semaphore_mem>>)
      } else {
      }
      %not3A = arith.constant true
      %not3A_181 = arith.xori %select_n3A_141, %not3A : i1
      %and3A_182 = arith.andi %lt3A_170, %not3A_181 : i1
      %convert_element_type3A_183 = arith.extui %and3A_182 : i1 to i32
      %cond3A_184 = arith.constant 0 : i32
      %cond3A_185 = arith.cmpi ne, %convert_element_type3A_183, %cond3A_184 : i32
      scf.if %cond3A_185 {
        %mul3A_429 = arith.constant 16 : i32
        %mul3A_430 = arith.muli %select_n3A_169, %mul3A_429 : i32
        %add3A_431 = arith.addi %scan3A_8#0, %mul3A_430 : i32
        %min3A_432 = arith.constant 1008 : i32
        %min3A_433 = arith.minsi %add3A_431, %min3A_432 : i32
        %sub3A_434 = arith.subi %scan3A_8#0, %min3A_433 : i32
        %ge3A_435 = vector.broadcast %sub3A_434 : i32 to vector<16xi32>
        %ge3A_436 = arith.cmpi sge, %iota3A, %ge3A_435 : vector<16xi32>
        %get3A = arith.index_cast %min3A_433 : i32 to index
        %get3A_437 = tpu.vector_load %arg8[%get3A] {strides = array<i32>} : memref<1024xi32, #tpu.memory_space<vmem>>, vector<16xi32>,
        %select_n3A_438 = arith.select %ge3A_436, %get3A_437, %gather3A_45 : vector<16xi1>, vector<16xi32>
        %swap3A = arith.constant 0 : index
        %swap3A_439 = tpu.vector_load %arg13[%swap3A] {strides = array<i32>} : memref<16xi32, #tpu.memory_space<vmem>>, vector<16xi32>,
        tpu.vector_store %arg13[%swap3A], %select_n3A_438 {strides = array<i32>} : memref<16xi32, #tpu.memory_space<vmem>>, vector<16xi32>,
        %swap3A_440 = arith.constant 0 : index
        %swap3A_441 = tpu.vector_load %arg16[%swap3A_440] {strides = array<i32>} : memref<16xi32, #tpu.memory_space<vmem>>, vector<16xi32>,
        tpu.vector_store %arg16[%swap3A_440], %select_n3A_438 {strides = array<i32>} : memref<16xi32, #tpu.memory_space<vmem>>, vector<16xi32>,
        %dma_start3A = arith.constant 0 : i32
        %dma_start3A_442 = arith.constant 0 : i32
        %dma_start3A_443 = tpu.memref_slice %arg2[%dma_start3A, %dma_start3A_442] : memref<32768x1024xf32, #tpu.memory_space<hbm>> -> memref<32768x1024xf32, #tpu.memory_space<hbm>>
        tpu.enqueue_indirect_dma source(%dma_start3A_443 : memref<32768x1024xf32, #tpu.memory_space<hbm>>) target(%arg10 : memref<16x1024xf32, #tpu.memory_space<vmem>>) offsets(%arg13 : memref<16xi32, #tpu.memory_space<vmem>>) semaphore(%arg19 : memref<!tpu.dma_semaphore, #tpu.memory_space<semaphore_mem>>)
      } else {
      }
      %mul3A_186 = arith.constant 3 : i32
      %mul3A_187 = arith.muli %while3A_118, %mul3A_186 : i32
      %add3A_188 = arith.constant 1 : i32
      %add3A_189 = arith.addi %mul3A_187, %add3A_188 : i32
      %lt3A_190 = arith.cmpi slt, %add3A_189, %mul3A_76 : i32
      %jit3A_191 = arith.constant 2 : i32
      %eq3A_192 = arith.constant 0 : i32
      %eq3A_193 = arith.cmpi eq, %jit3A_191, %eq3A_192 : i32
      %jit3A_194 = arith.constant 1 : i32
      %select_n3A_195 = arith.select %eq3A_193, %jit3A_194, %jit3A_191 : i32
      %rem3A_196 = arith.remsi %add3A_189, %select_n3A_195 : i32
      %ne3A_197 = arith.constant 0 : i32
      %ne3A_198 = arith.cmpi ne, %rem3A_196, %ne3A_197 : i32
      %lt3A_199 = arith.constant 0 : i32
      %lt3A_200 = arith.cmpi slt, %rem3A_196, %lt3A_199 : i32
      %lt3A_201 = arith.constant 0 : i32
      %lt3A_202 = arith.cmpi slt, %select_n3A_195, %lt3A_201 : i32
      %ne3A_203 = arith.xori %lt3A_200, %lt3A_202 : i1
      %and3A_204 = arith.andi %ne3A_203, %ne3A_198 : i1
      %add3A_205 = arith.addi %rem3A_196, %select_n3A_195 : i32
      %select_n3A_206 = arith.select %and3A_204, %add3A_205, %rem3A_196 : i32
      %eq3A_207 = arith.constant 0 : i32
      %eq3A_208 = arith.cmpi eq, %select_n3A_206, %eq3A_207 : i32
      %gt3A_209 = arith.cmpi sgt, %select_n3A, %select_n3A_73 : i32
      %select_n3A_210 = arith.select %lt3A_190, %eq3A_208, %gt3A_209 : i1
      %lt3A_211 = arith.cmpi slt, %add3A_189, %mul3A_76 : i32
      %jit3A_212 = arith.constant 2 : i32
      %div3A_213 = arith.divsi %add3A_189, %jit3A_212 : i32
      %sign3A_214 = arith.constant 0 : i32
      %sign3A_215 = arith.cmpi sgt, %add3A_189, %sign3A_214 : i32
      %sign3A_216 = arith.extui %sign3A_215 : i1 to i32
      %sign3A_217 = arith.constant 0 : i32
      %sign3A_218 = arith.cmpi slt, %add3A_189, %sign3A_217 : i32
      %sign3A_219 = arith.extui %sign3A_218 : i1 to i32
      %sign3A_220 = arith.subi %sign3A_216, %sign3A_219 : i32
      %sign3A_221 = arith.constant 0 : i32
      %sign3A_222 = arith.cmpi sgt, %jit3A_212, %sign3A_221 : i32
      %sign3A_223 = arith.extui %sign3A_222 : i1 to i32
      %sign3A_224 = arith.constant 0 : i32
      %sign3A_225 = arith.cmpi slt, %jit3A_212, %sign3A_224 : i32
      %sign3A_226 = arith.extui %sign3A_225 : i1 to i32
      %sign3A_227 = arith.subi %sign3A_223, %sign3A_226 : i32
      %ne3A_228 = arith.cmpi ne, %sign3A_220, %sign3A_227 : i32
      %rem3A_229 = arith.remsi %add3A_189, %jit3A_212 : i32
      %ne3A_230 = arith.constant 0 : i32
      %ne3A_231 = arith.cmpi ne, %rem3A_229, %ne3A_230 : i32
      %and3A_232 = arith.andi %ne3A_228, %ne3A_231 : i1
      %sub3A_233 = arith.constant 1 : i32
      %sub3A_234 = arith.subi %div3A_213, %sub3A_233 : i32
      %select_n3A_235 = arith.select %and3A_232, %sub3A_234, %div3A_213 : i32
      %sub3A_236 = arith.subi %add3A_189, %mul3A_76 : i32
      %add3A_237 = arith.addi %sub3A_236, %min3A : i32
      %select_n3A_238 = arith.select %lt3A_211, %select_n3A_235, %add3A_237 : i32
      %lt3A_239 = arith.cmpi slt, %add3A_189, %add3A_74 : i32
      %ge3A_240 = arith.constant 3 : i32
      %ge3A_241 = arith.cmpi sge, %add3A_189, %ge3A_240 : i32
      %sub3A_242 = arith.constant 3 : i32
      %sub3A_243 = arith.subi %add3A_189, %sub3A_242 : i32
      %lt3A_244 = arith.cmpi slt, %sub3A_243, %add3A_74 : i32
      %and3A_245 = arith.andi %ge3A_241, %lt3A_244 : i1
      %convert_element_type3A_246 = arith.extui %and3A_245 : i1 to i32
      %cond3A_247 = arith.constant 0 : i32
      %cond3A_248 = arith.cmpi ne, %convert_element_type3A_246, %cond3A_247 : i32
      scf.if %cond3A_248 {
        %dma_wait3A = arith.constant 0 : i32
        %dma_wait3A_429 = arith.constant 0 : i32
        %dma_wait3A_430 = tpu.memref_slice %arg5[%dma_wait3A, %dma_wait3A_429] : memref<32768x1024xf32, #tpu.memory_space<hbm>> -> memref<32768x1024xf32, #tpu.memory_space<hbm>>
        tpu.wait_indirect_dma semaphore(%arg23 : memref<!tpu.dma_semaphore, #tpu.memory_space<semaphore_mem>>) src(%arg11 : memref<16x1024xf32, #tpu.memory_space<vmem>>) dst(%dma_wait3A_430 : memref<32768x1024xf32, #tpu.memory_space<hbm>>)
      } else {
      }
      %and3A_249 = arith.andi %lt3A_239, %select_n3A_210 : i1
      %convert_element_type3A_250 = arith.extui %and3A_249 : i1 to i32
      %cond3A_251 = arith.constant 0 : i32
      %cond3A_252 = arith.cmpi ne, %convert_element_type3A_250, %cond3A_251 : i32
      scf.if %cond3A_252 {
        %mul3A_429 = arith.constant 16 : i32
        %mul3A_430 = arith.muli %select_n3A_238, %mul3A_429 : i32
        %min3A_431 = arith.minsi %mul3A_430, %max3A_39 : i32
        %sub3A_432 = arith.subi %scan3A_8#0, %min3A_431 : i32
        %lt3A_433 = vector.broadcast %sub3A_432 : i32 to vector<16xi32>
        %lt3A_434 = arith.cmpi slt, %iota3A, %lt3A_433 : vector<16xi32>
        %get3A = arith.index_cast %min3A_431 : i32 to index
        %get3A_435 = tpu.vector_load %arg9[%get3A] {strides = array<i32>} : memref<1024xi32, #tpu.memory_space<vmem>>, vector<16xi32>,
        %select_n3A_436 = arith.select %lt3A_434, %get3A_435, %gather3A : vector<16xi1>, vector<16xi32>
        %get3A_437 = arith.index_cast %min3A_431 : i32 to index
        %get3A_438 = tpu.vector_load %arg8[%get3A_437] {strides = array<i32>} : memref<1024xi32, #tpu.memory_space<vmem>>, vector<16xi32>,
        %select_n3A_439 = arith.select %lt3A_434, %get3A_438, %gather3A_14 : vector<16xi1>, vector<16xi32>
        %swap3A = arith.constant 0 : index
        %swap3A_440 = tpu.vector_load %arg17[%swap3A] {strides = array<i32>} : memref<16xi32, #tpu.memory_space<vmem>>, vector<16xi32>,
        tpu.vector_store %arg17[%swap3A], %select_n3A_439 {strides = array<i32>} : memref<16xi32, #tpu.memory_space<vmem>>, vector<16xi32>,
        %parallel_loop3A = arith.constant 0 : i32
        %parallel_loop3A_441 = arith.constant 1024 : i32
        %parallel_loop3A_442 = arith.constant 1 : i32
        scf.for %parallel_loop3A_445 = %parallel_loop3A to %parallel_loop3A_441 step %parallel_loop3A_442  : i32 {
          %parallel_loop3A_446 = vector.broadcast %parallel_loop3A_445 : i32 to vector<16xi32>
          %parallel_loop3A_447 = arith.addi %mul3A_42, %parallel_loop3A_446 : vector<16xi32>
          %parallel_loop3A_448 = arith.constant 1023 : i32
          %parallel_loop3A_449 = vector.broadcast %parallel_loop3A_448 : i32 to vector<16xi32>
          %parallel_loop3A_450 = arith.andi %parallel_loop3A_447, %parallel_loop3A_449 : vector<16xi32>
          %parallel_loop3A_451 = tpu.vector_load_idx %arg6[%select_n3A_436, %parallel_loop3A_450] : memref<64x1024xf32, #tpu.memory_space<vmem>>[vector<16xi32>, vector<16xi32>], vector<16xf32>,
          tpu.vector_store_idx %arg11[%iota3A, %parallel_loop3A_450], %parallel_loop3A_451 : memref<16x1024xf32, #tpu.memory_space<vmem>>[vector<16xi32>, vector<16xi32>], vector<16xf32>,
        } {sc.loop_unroll_factor = 8 : i64, sc.parallel_access}
        %dma_start3A = arith.constant 0 : i32
        %dma_start3A_443 = arith.constant 0 : i32
        %dma_start3A_444 = tpu.memref_slice %arg5[%dma_start3A, %dma_start3A_443] : memref<32768x1024xf32, #tpu.memory_space<hbm>> -> memref<32768x1024xf32, #tpu.memory_space<hbm>>
        tpu.enqueue_indirect_dma source(%arg11 : memref<16x1024xf32, #tpu.memory_space<vmem>>) target(%dma_start3A_444 : memref<32768x1024xf32, #tpu.memory_space<hbm>>) offsets(%arg17 : memref<16xi32, #tpu.memory_space<vmem>>) semaphore(%arg23 : memref<!tpu.dma_semaphore, #tpu.memory_space<semaphore_mem>>)
      } else {
      }
      %not3A_253 = arith.constant true
      %not3A_254 = arith.xori %select_n3A_210, %not3A_253 : i1
      %and3A_255 = arith.andi %lt3A_239, %not3A_254 : i1
      %convert_element_type3A_256 = arith.extui %and3A_255 : i1 to i32
      %cond3A_257 = arith.constant 0 : i32
      %cond3A_258 = arith.cmpi ne, %convert_element_type3A_256, %cond3A_257 : i32
      scf.if %cond3A_258 {
        %mul3A_429 = arith.constant 16 : i32
        %mul3A_430 = arith.muli %select_n3A_238, %mul3A_429 : i32
        %add3A_431 = arith.addi %scan3A_8#0, %mul3A_430 : i32
        %min3A_432 = arith.constant 1008 : i32
        %min3A_433 = arith.minsi %add3A_431, %min3A_432 : i32
        %sub3A_434 = arith.subi %scan3A_8#0, %min3A_433 : i32
        %ge3A_435 = vector.broadcast %sub3A_434 : i32 to vector<16xi32>
        %ge3A_436 = arith.cmpi sge, %iota3A, %ge3A_435 : vector<16xi32>
        %get3A = arith.index_cast %min3A_433 : i32 to index
        %get3A_437 = tpu.vector_load %arg8[%get3A] {strides = array<i32>} : memref<1024xi32, #tpu.memory_space<vmem>>, vector<16xi32>,
        %select_n3A_438 = arith.select %ge3A_436, %get3A_437, %gather3A_45 : vector<16xi1>, vector<16xi32>
        %swap3A = arith.constant 0 : index
        %swap3A_439 = tpu.vector_load %arg14[%swap3A] {strides = array<i32>} : memref<16xi32, #tpu.memory_space<vmem>>, vector<16xi32>,
        tpu.vector_store %arg14[%swap3A], %select_n3A_438 {strides = array<i32>} : memref<16xi32, #tpu.memory_space<vmem>>, vector<16xi32>,
        %swap3A_440 = arith.constant 0 : index
        %swap3A_441 = tpu.vector_load %arg17[%swap3A_440] {strides = array<i32>} : memref<16xi32, #tpu.memory_space<vmem>>, vector<16xi32>,
        tpu.vector_store %arg17[%swap3A_440], %select_n3A_438 {strides = array<i32>} : memref<16xi32, #tpu.memory_space<vmem>>, vector<16xi32>,
        %dma_start3A = arith.constant 0 : i32
        %dma_start3A_442 = arith.constant 0 : i32
        %dma_start3A_443 = tpu.memref_slice %arg2[%dma_start3A, %dma_start3A_442] : memref<32768x1024xf32, #tpu.memory_space<hbm>> -> memref<32768x1024xf32, #tpu.memory_space<hbm>>
        tpu.enqueue_indirect_dma source(%dma_start3A_443 : memref<32768x1024xf32, #tpu.memory_space<hbm>>) target(%arg11 : memref<16x1024xf32, #tpu.memory_space<vmem>>) offsets(%arg14 : memref<16xi32, #tpu.memory_space<vmem>>) semaphore(%arg20 : memref<!tpu.dma_semaphore, #tpu.memory_space<semaphore_mem>>)
      } else {
      }
      %mul3A_259 = arith.constant 3 : i32
      %mul3A_260 = arith.muli %while3A_118, %mul3A_259 : i32
      %add3A_261 = arith.constant 2 : i32
      %add3A_262 = arith.addi %mul3A_260, %add3A_261 : i32
      %lt3A_263 = arith.cmpi slt, %add3A_262, %mul3A_76 : i32
      %jit3A_264 = arith.constant 2 : i32
      %eq3A_265 = arith.constant 0 : i32
      %eq3A_266 = arith.cmpi eq, %jit3A_264, %eq3A_265 : i32
      %jit3A_267 = arith.constant 1 : i32
      %select_n3A_268 = arith.select %eq3A_266, %jit3A_267, %jit3A_264 : i32
      %rem3A_269 = arith.remsi %add3A_262, %select_n3A_268 : i32
      %ne3A_270 = arith.constant 0 : i32
      %ne3A_271 = arith.cmpi ne, %rem3A_269, %ne3A_270 : i32
      %lt3A_272 = arith.constant 0 : i32
      %lt3A_273 = arith.cmpi slt, %rem3A_269, %lt3A_272 : i32
      %lt3A_274 = arith.constant 0 : i32
      %lt3A_275 = arith.cmpi slt, %select_n3A_268, %lt3A_274 : i32
      %ne3A_276 = arith.xori %lt3A_273, %lt3A_275 : i1
      %and3A_277 = arith.andi %ne3A_276, %ne3A_271 : i1
      %add3A_278 = arith.addi %rem3A_269, %select_n3A_268 : i32
      %select_n3A_279 = arith.select %and3A_277, %add3A_278, %rem3A_269 : i32
      %eq3A_280 = arith.constant 0 : i32
      %eq3A_281 = arith.cmpi eq, %select_n3A_279, %eq3A_280 : i32
      %gt3A_282 = arith.cmpi sgt, %select_n3A, %select_n3A_73 : i32
      %select_n3A_283 = arith.select %lt3A_263, %eq3A_281, %gt3A_282 : i1
      %lt3A_284 = arith.cmpi slt, %add3A_262, %mul3A_76 : i32
      %jit3A_285 = arith.constant 2 : i32
      %div3A_286 = arith.divsi %add3A_262, %jit3A_285 : i32
      %sign3A_287 = arith.constant 0 : i32
      %sign3A_288 = arith.cmpi sgt, %add3A_262, %sign3A_287 : i32
      %sign3A_289 = arith.extui %sign3A_288 : i1 to i32
      %sign3A_290 = arith.constant 0 : i32
      %sign3A_291 = arith.cmpi slt, %add3A_262, %sign3A_290 : i32
      %sign3A_292 = arith.extui %sign3A_291 : i1 to i32
      %sign3A_293 = arith.subi %sign3A_289, %sign3A_292 : i32
      %sign3A_294 = arith.constant 0 : i32
      %sign3A_295 = arith.cmpi sgt, %jit3A_285, %sign3A_294 : i32
      %sign3A_296 = arith.extui %sign3A_295 : i1 to i32
      %sign3A_297 = arith.constant 0 : i32
      %sign3A_298 = arith.cmpi slt, %jit3A_285, %sign3A_297 : i32
      %sign3A_299 = arith.extui %sign3A_298 : i1 to i32
      %sign3A_300 = arith.subi %sign3A_296, %sign3A_299 : i32
      %ne3A_301 = arith.cmpi ne, %sign3A_293, %sign3A_300 : i32
      %rem3A_302 = arith.remsi %add3A_262, %jit3A_285 : i32
      %ne3A_303 = arith.constant 0 : i32
      %ne3A_304 = arith.cmpi ne, %rem3A_302, %ne3A_303 : i32
      %and3A_305 = arith.andi %ne3A_301, %ne3A_304 : i1
      %sub3A_306 = arith.constant 1 : i32
      %sub3A_307 = arith.subi %div3A_286, %sub3A_306 : i32
      %select_n3A_308 = arith.select %and3A_305, %sub3A_307, %div3A_286 : i32
      %sub3A_309 = arith.subi %add3A_262, %mul3A_76 : i32
      %add3A_310 = arith.addi %sub3A_309, %min3A : i32
      %select_n3A_311 = arith.select %lt3A_284, %select_n3A_308, %add3A_310 : i32
      %lt3A_312 = arith.cmpi slt, %add3A_262, %add3A_74 : i32
      %ge3A_313 = arith.constant 3 : i32
      %ge3A_314 = arith.cmpi sge, %add3A_262, %ge3A_313 : i32
      %sub3A_315 = arith.constant 3 : i32
      %sub3A_316 = arith.subi %add3A_262, %sub3A_315 : i32
      %lt3A_317 = arith.cmpi slt, %sub3A_316, %add3A_74 : i32
      %and3A_318 = arith.andi %ge3A_314, %lt3A_317 : i1
      %convert_element_type3A_319 = arith.extui %and3A_318 : i1 to i32
      %cond3A_320 = arith.constant 0 : i32
      %cond3A_321 = arith.cmpi ne, %convert_element_type3A_319, %cond3A_320 : i32
      scf.if %cond3A_321 {
        %dma_wait3A = arith.constant 0 : i32
        %dma_wait3A_429 = arith.constant 0 : i32
        %dma_wait3A_430 = tpu.memref_slice %arg5[%dma_wait3A, %dma_wait3A_429] : memref<32768x1024xf32, #tpu.memory_space<hbm>> -> memref<32768x1024xf32, #tpu.memory_space<hbm>>
        tpu.wait_indirect_dma semaphore(%arg24 : memref<!tpu.dma_semaphore, #tpu.memory_space<semaphore_mem>>) src(%arg12 : memref<16x1024xf32, #tpu.memory_space<vmem>>) dst(%dma_wait3A_430 : memref<32768x1024xf32, #tpu.memory_space<hbm>>)
      } else {
      }
      %and3A_322 = arith.andi %lt3A_312, %select_n3A_283 : i1
      %convert_element_type3A_323 = arith.extui %and3A_322 : i1 to i32
      %cond3A_324 = arith.constant 0 : i32
      %cond3A_325 = arith.cmpi ne, %convert_element_type3A_323, %cond3A_324 : i32
      scf.if %cond3A_325 {
        %mul3A_429 = arith.constant 16 : i32
        %mul3A_430 = arith.muli %select_n3A_311, %mul3A_429 : i32
        %min3A_431 = arith.minsi %mul3A_430, %max3A_39 : i32
        %sub3A_432 = arith.subi %scan3A_8#0, %min3A_431 : i32
        %lt3A_433 = vector.broadcast %sub3A_432 : i32 to vector<16xi32>
        %lt3A_434 = arith.cmpi slt, %iota3A, %lt3A_433 : vector<16xi32>
        %get3A = arith.index_cast %min3A_431 : i32 to index
        %get3A_435 = tpu.vector_load %arg9[%get3A] {strides = array<i32>} : memref<1024xi32, #tpu.memory_space<vmem>>, vector<16xi32>,
        %select_n3A_436 = arith.select %lt3A_434, %get3A_435, %gather3A : vector<16xi1>, vector<16xi32>
        %get3A_437 = arith.index_cast %min3A_431 : i32 to index
        %get3A_438 = tpu.vector_load %arg8[%get3A_437] {strides = array<i32>} : memref<1024xi32, #tpu.memory_space<vmem>>, vector<16xi32>,
        %select_n3A_439 = arith.select %lt3A_434, %get3A_438, %gather3A_14 : vector<16xi1>, vector<16xi32>
        %swap3A = arith.constant 0 : index
        %swap3A_440 = tpu.vector_load %arg18[%swap3A] {strides = array<i32>} : memref<16xi32, #tpu.memory_space<vmem>>, vector<16xi32>,
        tpu.vector_store %arg18[%swap3A], %select_n3A_439 {strides = array<i32>} : memref<16xi32, #tpu.memory_space<vmem>>, vector<16xi32>,
        %parallel_loop3A = arith.constant 0 : i32
        %parallel_loop3A_441 = arith.constant 1024 : i32
        %parallel_loop3A_442 = arith.constant 1 : i32
        scf.for %parallel_loop3A_445 = %parallel_loop3A to %parallel_loop3A_441 step %parallel_loop3A_442  : i32 {
          %parallel_loop3A_446 = vector.broadcast %parallel_loop3A_445 : i32 to vector<16xi32>
          %parallel_loop3A_447 = arith.addi %mul3A_42, %parallel_loop3A_446 : vector<16xi32>
          %parallel_loop3A_448 = arith.constant 1023 : i32
          %parallel_loop3A_449 = vector.broadcast %parallel_loop3A_448 : i32 to vector<16xi32>
          %parallel_loop3A_450 = arith.andi %parallel_loop3A_447, %parallel_loop3A_449 : vector<16xi32>
          %parallel_loop3A_451 = tpu.vector_load_idx %arg6[%select_n3A_436, %parallel_loop3A_450] : memref<64x1024xf32, #tpu.memory_space<vmem>>[vector<16xi32>, vector<16xi32>], vector<16xf32>,
          tpu.vector_store_idx %arg12[%iota3A, %parallel_loop3A_450], %parallel_loop3A_451 : memref<16x1024xf32, #tpu.memory_space<vmem>>[vector<16xi32>, vector<16xi32>], vector<16xf32>,
        } {sc.loop_unroll_factor = 8 : i64, sc.parallel_access}
        %dma_start3A = arith.constant 0 : i32
        %dma_start3A_443 = arith.constant 0 : i32
        %dma_start3A_444 = tpu.memref_slice %arg5[%dma_start3A, %dma_start3A_443] : memref<32768x1024xf32, #tpu.memory_space<hbm>> -> memref<32768x1024xf32, #tpu.memory_space<hbm>>
        tpu.enqueue_indirect_dma source(%arg12 : memref<16x1024xf32, #tpu.memory_space<vmem>>) target(%dma_start3A_444 : memref<32768x1024xf32, #tpu.memory_space<hbm>>) offsets(%arg18 : memref<16xi32, #tpu.memory_space<vmem>>) semaphore(%arg24 : memref<!tpu.dma_semaphore, #tpu.memory_space<semaphore_mem>>)
      } else {
      }
      %not3A_326 = arith.constant true
      %not3A_327 = arith.xori %select_n3A_283, %not3A_326 : i1
      %and3A_328 = arith.andi %lt3A_312, %not3A_327 : i1
      %convert_element_type3A_329 = arith.extui %and3A_328 : i1 to i32
      %cond3A_330 = arith.constant 0 : i32
      %cond3A_331 = arith.cmpi ne, %convert_element_type3A_329, %cond3A_330 : i32
      scf.if %cond3A_331 {
        %mul3A_429 = arith.constant 16 : i32
        %mul3A_430 = arith.muli %select_n3A_311, %mul3A_429 : i32
        %add3A_431 = arith.addi %scan3A_8#0, %mul3A_430 : i32
        %min3A_432 = arith.constant 1008 : i32
        %min3A_433 = arith.minsi %add3A_431, %min3A_432 : i32
        %sub3A_434 = arith.subi %scan3A_8#0, %min3A_433 : i32
        %ge3A_435 = vector.broadcast %sub3A_434 : i32 to vector<16xi32>
        %ge3A_436 = arith.cmpi sge, %iota3A, %ge3A_435 : vector<16xi32>
        %get3A = arith.index_cast %min3A_433 : i32 to index
        %get3A_437 = tpu.vector_load %arg8[%get3A] {strides = array<i32>} : memref<1024xi32, #tpu.memory_space<vmem>>, vector<16xi32>,
        %select_n3A_438 = arith.select %ge3A_436, %get3A_437, %gather3A_45 : vector<16xi1>, vector<16xi32>
        %swap3A = arith.constant 0 : index
        %swap3A_439 = tpu.vector_load %arg15[%swap3A] {strides = array<i32>} : memref<16xi32, #tpu.memory_space<vmem>>, vector<16xi32>,
        tpu.vector_store %arg15[%swap3A], %select_n3A_438 {strides = array<i32>} : memref<16xi32, #tpu.memory_space<vmem>>, vector<16xi32>,
        %swap3A_440 = arith.constant 0 : index
        %swap3A_441 = tpu.vector_load %arg18[%swap3A_440] {strides = array<i32>} : memref<16xi32, #tpu.memory_space<vmem>>, vector<16xi32>,
        tpu.vector_store %arg18[%swap3A_440], %select_n3A_438 {strides = array<i32>} : memref<16xi32, #tpu.memory_space<vmem>>, vector<16xi32>,
        %dma_start3A = arith.constant 0 : i32
        %dma_start3A_442 = arith.constant 0 : i32
        %dma_start3A_443 = tpu.memref_slice %arg2[%dma_start3A, %dma_start3A_442] : memref<32768x1024xf32, #tpu.memory_space<hbm>> -> memref<32768x1024xf32, #tpu.memory_space<hbm>>
        tpu.enqueue_indirect_dma source(%dma_start3A_443 : memref<32768x1024xf32, #tpu.memory_space<hbm>>) target(%arg12 : memref<16x1024xf32, #tpu.memory_space<vmem>>) offsets(%arg15 : memref<16xi32, #tpu.memory_space<vmem>>) semaphore(%arg21 : memref<!tpu.dma_semaphore, #tpu.memory_space<semaphore_mem>>)
      } else {
      }
      %mul3A_332 = arith.constant 3 : i32
      %mul3A_333 = arith.muli %while3A_118, %mul3A_332 : i32
      %add3A_334 = arith.constant 0 : i32
      %add3A_335 = arith.addi %mul3A_333, %add3A_334 : i32
      %lt3A_336 = arith.cmpi slt, %add3A_335, %mul3A_76 : i32
      %jit3A_337 = arith.constant 2 : i32
      %eq3A_338 = arith.constant 0 : i32
      %eq3A_339 = arith.cmpi eq, %jit3A_337, %eq3A_338 : i32
      %jit3A_340 = arith.constant 1 : i32
      %select_n3A_341 = arith.select %eq3A_339, %jit3A_340, %jit3A_337 : i32
      %rem3A_342 = arith.remsi %add3A_335, %select_n3A_341 : i32
      %ne3A_343 = arith.constant 0 : i32
      %ne3A_344 = arith.cmpi ne, %rem3A_342, %ne3A_343 : i32
      %lt3A_345 = arith.constant 0 : i32
      %lt3A_346 = arith.cmpi slt, %rem3A_342, %lt3A_345 : i32
      %lt3A_347 = arith.constant 0 : i32
      %lt3A_348 = arith.cmpi slt, %select_n3A_341, %lt3A_347 : i32
      %ne3A_349 = arith.xori %lt3A_346, %lt3A_348 : i1
      %and3A_350 = arith.andi %ne3A_349, %ne3A_344 : i1
      %add3A_351 = arith.addi %rem3A_342, %select_n3A_341 : i32
      %select_n3A_352 = arith.select %and3A_350, %add3A_351, %rem3A_342 : i32
      %eq3A_353 = arith.constant 0 : i32
      %eq3A_354 = arith.cmpi eq, %select_n3A_352, %eq3A_353 : i32
      %gt3A_355 = arith.cmpi sgt, %select_n3A, %select_n3A_73 : i32
      %select_n3A_356 = arith.select %lt3A_336, %eq3A_354, %gt3A_355 : i1
      %lt3A_357 = arith.cmpi slt, %add3A_335, %add3A_74 : i32
      %not3A_358 = arith.constant true
      %not3A_359 = arith.xori %select_n3A_356, %not3A_358 : i1
      %and3A_360 = arith.andi %lt3A_357, %not3A_359 : i1
      %convert_element_type3A_361 = arith.extui %and3A_360 : i1 to i32
      %cond3A_362 = arith.constant 0 : i32
      %cond3A_363 = arith.cmpi ne, %convert_element_type3A_361, %cond3A_362 : i32
      scf.if %cond3A_363 {
        %dma_wait3A = arith.constant 0 : i32
        %dma_wait3A_429 = arith.constant 0 : i32
        %dma_wait3A_430 = tpu.memref_slice %arg2[%dma_wait3A, %dma_wait3A_429] : memref<32768x1024xf32, #tpu.memory_space<hbm>> -> memref<32768x1024xf32, #tpu.memory_space<hbm>>
        tpu.wait_indirect_dma semaphore(%arg19 : memref<!tpu.dma_semaphore, #tpu.memory_space<semaphore_mem>>) src(%dma_wait3A_430 : memref<32768x1024xf32, #tpu.memory_space<hbm>>) dst(%arg10 : memref<16x1024xf32, #tpu.memory_space<vmem>>)
        %dma_start3A = arith.constant 0 : i32
        %dma_start3A_431 = arith.constant 0 : i32
        %dma_start3A_432 = tpu.memref_slice %arg5[%dma_start3A, %dma_start3A_431] : memref<32768x1024xf32, #tpu.memory_space<hbm>> -> memref<32768x1024xf32, #tpu.memory_space<hbm>>
        tpu.enqueue_indirect_dma source(%arg10 : memref<16x1024xf32, #tpu.memory_space<vmem>>) target(%dma_start3A_432 : memref<32768x1024xf32, #tpu.memory_space<hbm>>) offsets(%arg16 : memref<16xi32, #tpu.memory_space<vmem>>) semaphore(%arg22 : memref<!tpu.dma_semaphore, #tpu.memory_space<semaphore_mem>>)
      } else {
      }
      %mul3A_364 = arith.constant 3 : i32
      %mul3A_365 = arith.muli %while3A_118, %mul3A_364 : i32
      %add3A_366 = arith.constant 1 : i32
      %add3A_367 = arith.addi %mul3A_365, %add3A_366 : i32
      %lt3A_368 = arith.cmpi slt, %add3A_367, %mul3A_76 : i32
      %jit3A_369 = arith.constant 2 : i32
      %eq3A_370 = arith.constant 0 : i32
      %eq3A_371 = arith.cmpi eq, %jit3A_369, %eq3A_370 : i32
      %jit3A_372 = arith.constant 1 : i32
      %select_n3A_373 = arith.select %eq3A_371, %jit3A_372, %jit3A_369 : i32
      %rem3A_374 = arith.remsi %add3A_367, %select_n3A_373 : i32
      %ne3A_375 = arith.constant 0 : i32
      %ne3A_376 = arith.cmpi ne, %rem3A_374, %ne3A_375 : i32
      %lt3A_377 = arith.constant 0 : i32
      %lt3A_378 = arith.cmpi slt, %rem3A_374, %lt3A_377 : i32
      %lt3A_379 = arith.constant 0 : i32
      %lt3A_380 = arith.cmpi slt, %select_n3A_373, %lt3A_379 : i32
      %ne3A_381 = arith.xori %lt3A_378, %lt3A_380 : i1
      %and3A_382 = arith.andi %ne3A_381, %ne3A_376 : i1
      %add3A_383 = arith.addi %rem3A_374, %select_n3A_373 : i32
      %select_n3A_384 = arith.select %and3A_382, %add3A_383, %rem3A_374 : i32
      %eq3A_385 = arith.constant 0 : i32
      %eq3A_386 = arith.cmpi eq, %select_n3A_384, %eq3A_385 : i32
      %gt3A_387 = arith.cmpi sgt, %select_n3A, %select_n3A_73 : i32
      %select_n3A_388 = arith.select %lt3A_368, %eq3A_386, %gt3A_387 : i1
      %lt3A_389 = arith.cmpi slt, %add3A_367, %add3A_74 : i32
      %not3A_390 = arith.constant true
      %not3A_391 = arith.xori %select_n3A_388, %not3A_390 : i1
      %and3A_392 = arith.andi %lt3A_389, %not3A_391 : i1
      %convert_element_type3A_393 = arith.extui %and3A_392 : i1 to i32
      %cond3A_394 = arith.constant 0 : i32
      %cond3A_395 = arith.cmpi ne, %convert_element_type3A_393, %cond3A_394 : i32
      scf.if %cond3A_395 {
        %dma_wait3A = arith.constant 0 : i32
        %dma_wait3A_429 = arith.constant 0 : i32
        %dma_wait3A_430 = tpu.memref_slice %arg2[%dma_wait3A, %dma_wait3A_429] : memref<32768x1024xf32, #tpu.memory_space<hbm>> -> memref<32768x1024xf32, #tpu.memory_space<hbm>>
        tpu.wait_indirect_dma semaphore(%arg20 : memref<!tpu.dma_semaphore, #tpu.memory_space<semaphore_mem>>) src(%dma_wait3A_430 : memref<32768x1024xf32, #tpu.memory_space<hbm>>) dst(%arg11 : memref<16x1024xf32, #tpu.memory_space<vmem>>)
        %dma_start3A = arith.constant 0 : i32
        %dma_start3A_431 = arith.constant 0 : i32
        %dma_start3A_432 = tpu.memref_slice %arg5[%dma_start3A, %dma_start3A_431] : memref<32768x1024xf32, #tpu.memory_space<hbm>> -> memref<32768x1024xf32, #tpu.memory_space<hbm>>
        tpu.enqueue_indirect_dma source(%arg11 : memref<16x1024xf32, #tpu.memory_space<vmem>>) target(%dma_start3A_432 : memref<32768x1024xf32, #tpu.memory_space<hbm>>) offsets(%arg17 : memref<16xi32, #tpu.memory_space<vmem>>) semaphore(%arg23 : memref<!tpu.dma_semaphore, #tpu.memory_space<semaphore_mem>>)
      } else {
      }
      %mul3A_396 = arith.constant 3 : i32
      %mul3A_397 = arith.muli %while3A_118, %mul3A_396 : i32
      %add3A_398 = arith.constant 2 : i32
      %add3A_399 = arith.addi %mul3A_397, %add3A_398 : i32
      %lt3A_400 = arith.cmpi slt, %add3A_399, %mul3A_76 : i32
      %jit3A_401 = arith.constant 2 : i32
      %eq3A_402 = arith.constant 0 : i32
      %eq3A_403 = arith.cmpi eq, %jit3A_401, %eq3A_402 : i32
      %jit3A_404 = arith.constant 1 : i32
      %select_n3A_405 = arith.select %eq3A_403, %jit3A_404, %jit3A_401 : i32
      %rem3A_406 = arith.remsi %add3A_399, %select_n3A_405 : i32
      %ne3A_407 = arith.constant 0 : i32
      %ne3A_408 = arith.cmpi ne, %rem3A_406, %ne3A_407 : i32
      %lt3A_409 = arith.constant 0 : i32
      %lt3A_410 = arith.cmpi slt, %rem3A_406, %lt3A_409 : i32
      %lt3A_411 = arith.constant 0 : i32
      %lt3A_412 = arith.cmpi slt, %select_n3A_405, %lt3A_411 : i32
      %ne3A_413 = arith.xori %lt3A_410, %lt3A_412 : i1
      %and3A_414 = arith.andi %ne3A_413, %ne3A_408 : i1
      %add3A_415 = arith.addi %rem3A_406, %select_n3A_405 : i32
      %select_n3A_416 = arith.select %and3A_414, %add3A_415, %rem3A_406 : i32
      %eq3A_417 = arith.constant 0 : i32
      %eq3A_418 = arith.cmpi eq, %select_n3A_416, %eq3A_417 : i32
      %gt3A_419 = arith.cmpi sgt, %select_n3A, %select_n3A_73 : i32
      %select_n3A_420 = arith.select %lt3A_400, %eq3A_418, %gt3A_419 : i1
      %lt3A_421 = arith.cmpi slt, %add3A_399, %add3A_74 : i32
      %not3A_422 = arith.constant true
      %not3A_423 = arith.xori %select_n3A_420, %not3A_422 : i1
      %and3A_424 = arith.andi %lt3A_421, %not3A_423 : i1
      %convert_element_type3A_425 = arith.extui %and3A_424 : i1 to i32
      %cond3A_426 = arith.constant 0 : i32
      %cond3A_427 = arith.cmpi ne, %convert_element_type3A_425, %cond3A_426 : i32
      scf.if %cond3A_427 {
        %dma_wait3A = arith.constant 0 : i32
        %dma_wait3A_429 = arith.constant 0 : i32
        %dma_wait3A_430 = tpu.memref_slice %arg2[%dma_wait3A, %dma_wait3A_429] : memref<32768x1024xf32, #tpu.memory_space<hbm>> -> memref<32768x1024xf32, #tpu.memory_space<hbm>>
        tpu.wait_indirect_dma semaphore(%arg21 : memref<!tpu.dma_semaphore, #tpu.memory_space<semaphore_mem>>) src(%dma_wait3A_430 : memref<32768x1024xf32, #tpu.memory_space<hbm>>) dst(%arg12 : memref<16x1024xf32, #tpu.memory_space<vmem>>)
        %dma_start3A = arith.constant 0 : i32
        %dma_start3A_431 = arith.constant 0 : i32
        %dma_start3A_432 = tpu.memref_slice %arg5[%dma_start3A, %dma_start3A_431] : memref<32768x1024xf32, #tpu.memory_space<hbm>> -> memref<32768x1024xf32, #tpu.memory_space<hbm>>
        tpu.enqueue_indirect_dma source(%arg12 : memref<16x1024xf32, #tpu.memory_space<vmem>>) target(%dma_start3A_432 : memref<32768x1024xf32, #tpu.memory_space<hbm>>) offsets(%arg18 : memref<16xi32, #tpu.memory_space<vmem>>) semaphore(%arg24 : memref<!tpu.dma_semaphore, #tpu.memory_space<semaphore_mem>>)
      } else {
      }
      %while3A_428 = arith.constant 0 : i32
      scf.yield %while3A_428 : i32
    }
    %while3A_116 = arith.constant 1 : i32
    %while3A_117 = scf.for %while3A_118 = %while3A_113 to %while3A_109 step %while3A_116 iter_args(%while3A_119 = %while3A_115) -> (i32)  : i32 {
      %mul3A_120 = arith.constant 3 : i32
      %mul3A_121 = arith.muli %while3A_118, %mul3A_120 : i32
      %add3A_122 = arith.constant 0 : i32
      %add3A_123 = arith.addi %mul3A_121, %add3A_122 : i32
      %lt3A = arith.cmpi slt, %add3A_123, %mul3A_76 : i32
      %jit3A_124 = arith.constant 2 : i32
      %eq3A = arith.constant 0 : i32
      %eq3A_125 = arith.cmpi eq, %jit3A_124, %eq3A : i32
      %jit3A_126 = arith.constant 1 : i32
      %select_n3A_127 = arith.select %eq3A_125, %jit3A_126, %jit3A_124 : i32
      %rem3A_128 = arith.remsi %add3A_123, %select_n3A_127 : i32
      %ne3A_129 = arith.constant 0 : i32
      %ne3A_130 = arith.cmpi ne, %rem3A_128, %ne3A_129 : i32
      %lt3A_131 = arith.constant 0 : i32
      %lt3A_132 = arith.cmpi slt, %rem3A_128, %lt3A_131 : i32
      %lt3A_133 = arith.constant 0 : i32
      %lt3A_134 = arith.cmpi slt, %select_n3A_127, %lt3A_133 : i32
      %ne3A_135 = arith.xori %lt3A_132, %lt3A_134 : i1
      %and3A_136 = arith.andi %ne3A_135, %ne3A_130 : i1
      %add3A_137 = arith.addi %rem3A_128, %select_n3A_127 : i32
      %select_n3A_138 = arith.select %and3A_136, %add3A_137, %rem3A_128 : i32
      %eq3A_139 = arith.constant 0 : i32
      %eq3A_140 = arith.cmpi eq, %select_n3A_138, %eq3A_139 : i32
      %gt3A = arith.cmpi sgt, %select_n3A, %select_n3A_73 : i32
      %select_n3A_141 = arith.select %lt3A, %eq3A_140, %gt3A : i1
      %lt3A_142 = arith.cmpi slt, %add3A_123, %mul3A_76 : i32
      %jit3A_143 = arith.constant 2 : i32
      %div3A_144 = arith.divsi %add3A_123, %jit3A_143 : i32
      %sign3A_145 = arith.constant 0 : i32
      %sign3A_146 = arith.cmpi sgt, %add3A_123, %sign3A_145 : i32
      %sign3A_147 = arith.extui %sign3A_146 : i1 to i32
      %sign3A_148 = arith.constant 0 : i32
      %sign3A_149 = arith.cmpi slt, %add3A_123, %sign3A_148 : i32
      %sign3A_150 = arith.extui %sign3A_149 : i1 to i32
      %sign3A_151 = arith.subi %sign3A_147, %sign3A_150 : i32
      %sign3A_152 = arith.constant 0 : i32
      %sign3A_153 = arith.cmpi sgt, %jit3A_143, %sign3A_152 : i32
      %sign3A_154 = arith.extui %sign3A_153 : i1 to i32
      %sign3A_155 = arith.constant 0 : i32
      %sign3A_156 = arith.cmpi slt, %jit3A_143, %sign3A_155 : i32
      %sign3A_157 = arith.extui %sign3A_156 : i1 to i32
      %sign3A_158 = arith.subi %sign3A_154, %sign3A_157 : i32
      %ne3A_159 = arith.cmpi ne, %sign3A_151, %sign3A_158 : i32
      %rem3A_160 = arith.remsi %add3A_123, %jit3A_143 : i32
      %ne3A_161 = arith.constant 0 : i32
      %ne3A_162 = arith.cmpi ne, %rem3A_160, %ne3A_161 : i32
      %and3A_163 = arith.andi %ne3A_159, %ne3A_162 : i1
      %sub3A_164 = arith.constant 1 : i32
      %sub3A_165 = arith.subi %div3A_144, %sub3A_164 : i32
      %select_n3A_166 = arith.select %and3A_163, %sub3A_165, %div3A_144 : i32
      %sub3A_167 = arith.subi %add3A_123, %mul3A_76 : i32
      %add3A_168 = arith.addi %sub3A_167, %min3A : i32
      %select_n3A_169 = arith.select %lt3A_142, %select_n3A_166, %add3A_168 : i32
      %lt3A_170 = arith.cmpi slt, %add3A_123, %add3A_74 : i32
      %ge3A = arith.constant 3 : i32
      %ge3A_171 = arith.cmpi sge, %add3A_123, %ge3A : i32
      %sub3A_172 = arith.constant 3 : i32
      %sub3A_173 = arith.subi %add3A_123, %sub3A_172 : i32
      %lt3A_174 = arith.cmpi slt, %sub3A_173, %add3A_74 : i32
      %and3A_175 = arith.andi %ge3A_171, %lt3A_174 : i1
      %convert_element_type3A = arith.extui %and3A_175 : i1 to i32
      %cond3A = arith.constant 0 : i32
      %cond3A_176 = arith.cmpi ne, %convert_element_type3A, %cond3A : i32
      scf.if %cond3A_176 {
        %dma_wait3A = arith.constant 0 : i32
        %dma_wait3A_429 = arith.constant 0 : i32
        %dma_wait3A_430 = tpu.memref_slice %arg5[%dma_wait3A, %dma_wait3A_429] : memref<32768x1024xf32, #tpu.memory_space<hbm>> -> memref<32768x1024xf32, #tpu.memory_space<hbm>>
        tpu.wait_indirect_dma semaphore(%arg22 : memref<!tpu.dma_semaphore, #tpu.memory_space<semaphore_mem>>) src(%arg10 : memref<16x1024xf32, #tpu.memory_space<vmem>>) dst(%dma_wait3A_430 : memref<32768x1024xf32, #tpu.memory_space<hbm>>)
      } else {
      }
      %and3A_177 = arith.andi %lt3A_170, %select_n3A_141 : i1
      %convert_element_type3A_178 = arith.extui %and3A_177 : i1 to i32
      %cond3A_179 = arith.constant 0 : i32
      %cond3A_180 = arith.cmpi ne, %convert_element_type3A_178, %cond3A_179 : i32
      scf.if %cond3A_180 {
        %mul3A_429 = arith.constant 16 : i32
        %mul3A_430 = arith.muli %select_n3A_169, %mul3A_429 : i32
        %min3A_431 = arith.minsi %mul3A_430, %max3A_39 : i32
        %sub3A_432 = arith.subi %scan3A_8#0, %min3A_431 : i32
        %lt3A_433 = vector.broadcast %sub3A_432 : i32 to vector<16xi32>
        %lt3A_434 = arith.cmpi slt, %iota3A, %lt3A_433 : vector<16xi32>
        %get3A = arith.index_cast %min3A_431 : i32 to index
        %get3A_435 = tpu.vector_load %arg9[%get3A] {strides = array<i32>} : memref<1024xi32, #tpu.memory_space<vmem>>, vector<16xi32>,
        %select_n3A_436 = arith.select %lt3A_434, %get3A_435, %gather3A : vector<16xi1>, vector<16xi32>
        %get3A_437 = arith.index_cast %min3A_431 : i32 to index
        %get3A_438 = tpu.vector_load %arg8[%get3A_437] {strides = array<i32>} : memref<1024xi32, #tpu.memory_space<vmem>>, vector<16xi32>,
        %select_n3A_439 = arith.select %lt3A_434, %get3A_438, %gather3A_14 : vector<16xi1>, vector<16xi32>
        %swap3A = arith.constant 0 : index
        %swap3A_440 = tpu.vector_load %arg16[%swap3A] {strides = array<i32>} : memref<16xi32, #tpu.memory_space<vmem>>, vector<16xi32>,
        tpu.vector_store %arg16[%swap3A], %select_n3A_439 {strides = array<i32>} : memref<16xi32, #tpu.memory_space<vmem>>, vector<16xi32>,
        %parallel_loop3A = arith.constant 0 : i32
        %parallel_loop3A_441 = arith.constant 1024 : i32
        %parallel_loop3A_442 = arith.constant 1 : i32
        scf.for %parallel_loop3A_445 = %parallel_loop3A to %parallel_loop3A_441 step %parallel_loop3A_442  : i32 {
          %parallel_loop3A_446 = vector.broadcast %parallel_loop3A_445 : i32 to vector<16xi32>
          %parallel_loop3A_447 = arith.addi %mul3A_42, %parallel_loop3A_446 : vector<16xi32>
          %parallel_loop3A_448 = arith.constant 1023 : i32
          %parallel_loop3A_449 = vector.broadcast %parallel_loop3A_448 : i32 to vector<16xi32>
          %parallel_loop3A_450 = arith.andi %parallel_loop3A_447, %parallel_loop3A_449 : vector<16xi32>
          %parallel_loop3A_451 = tpu.vector_load_idx %arg6[%select_n3A_436, %parallel_loop3A_450] : memref<64x1024xf32, #tpu.memory_space<vmem>>[vector<16xi32>, vector<16xi32>], vector<16xf32>,
          tpu.vector_store_idx %arg10[%iota3A, %parallel_loop3A_450], %parallel_loop3A_451 : memref<16x1024xf32, #tpu.memory_space<vmem>>[vector<16xi32>, vector<16xi32>], vector<16xf32>,
        } {sc.loop_unroll_factor = 8 : i64, sc.parallel_access}
        %dma_start3A = arith.constant 0 : i32
        %dma_start3A_443 = arith.constant 0 : i32
        %dma_start3A_444 = tpu.memref_slice %arg5[%dma_start3A, %dma_start3A_443] : memref<32768x1024xf32, #tpu.memory_space<hbm>> -> memref<32768x1024xf32, #tpu.memory_space<hbm>>
        tpu.enqueue_indirect_dma source(%arg10 : memref<16x1024xf32, #tpu.memory_space<vmem>>) target(%dma_start3A_444 : memref<32768x1024xf32, #tpu.memory_space<hbm>>) offsets(%arg16 : memref<16xi32, #tpu.memory_space<vmem>>) semaphore(%arg22 : memref<!tpu.dma_semaphore, #tpu.memory_space<semaphore_mem>>)
      } else {
      }
      %not3A = arith.constant true
      %not3A_181 = arith.xori %select_n3A_141, %not3A : i1
      %and3A_182 = arith.andi %lt3A_170, %not3A_181 : i1
      %convert_element_type3A_183 = arith.extui %and3A_182 : i1 to i32
      %cond3A_184 = arith.constant 0 : i32
      %cond3A_185 = arith.cmpi ne, %convert_element_type3A_183, %cond3A_184 : i32
      scf.if %cond3A_185 {
        %mul3A_429 = arith.constant 16 : i32
        %mul3A_430 = arith.muli %select_n3A_169, %mul3A_429 : i32
        %add3A_431 = arith.addi %scan3A_8#0, %mul3A_430 : i32
        %min3A_432 = arith.constant 1008 : i32
        %min3A_433 = arith.minsi %add3A_431, %min3A_432 : i32
        %sub3A_434 = arith.subi %scan3A_8#0, %min3A_433 : i32
        %ge3A_435 = vector.broadcast %sub3A_434 : i32 to vector<16xi32>
        %ge3A_436 = arith.cmpi sge, %iota3A, %ge3A_435 : vector<16xi32>
        %get3A = arith.index_cast %min3A_433 : i32 to index
        %get3A_437 = tpu.vector_load %arg8[%get3A] {strides = array<i32>} : memref<1024xi32, #tpu.memory_space<vmem>>, vector<16xi32>,
        %select_n3A_438 = arith.select %ge3A_436, %get3A_437, %gather3A_45 : vector<16xi1>, vector<16xi32>
        %swap3A = arith.constant 0 : index
        %swap3A_439 = tpu.vector_load %arg13[%swap3A] {strides = array<i32>} : memref<16xi32, #tpu.memory_space<vmem>>, vector<16xi32>,
        tpu.vector_store %arg13[%swap3A], %select_n3A_438 {strides = array<i32>} : memref<16xi32, #tpu.memory_space<vmem>>, vector<16xi32>,
        %swap3A_440 = arith.constant 0 : index
        %swap3A_441 = tpu.vector_load %arg16[%swap3A_440] {strides = array<i32>} : memref<16xi32, #tpu.memory_space<vmem>>, vector<16xi32>,
        tpu.vector_store %arg16[%swap3A_440], %select_n3A_438 {strides = array<i32>} : memref<16xi32, #tpu.memory_space<vmem>>, vector<16xi32>,
        %dma_start3A = arith.constant 0 : i32
        %dma_start3A_442 = arith.constant 0 : i32
        %dma_start3A_443 = tpu.memref_slice %arg2[%dma_start3A, %dma_start3A_442] : memref<32768x1024xf32, #tpu.memory_space<hbm>> -> memref<32768x1024xf32, #tpu.memory_space<hbm>>
        tpu.enqueue_indirect_dma source(%dma_start3A_443 : memref<32768x1024xf32, #tpu.memory_space<hbm>>) target(%arg10 : memref<16x1024xf32, #tpu.memory_space<vmem>>) offsets(%arg13 : memref<16xi32, #tpu.memory_space<vmem>>) semaphore(%arg19 : memref<!tpu.dma_semaphore, #tpu.memory_space<semaphore_mem>>)
      } else {
      }
      %mul3A_186 = arith.constant 3 : i32
      %mul3A_187 = arith.muli %while3A_118, %mul3A_186 : i32
      %add3A_188 = arith.constant 1 : i32
      %add3A_189 = arith.addi %mul3A_187, %add3A_188 : i32
      %lt3A_190 = arith.cmpi slt, %add3A_189, %mul3A_76 : i32
      %jit3A_191 = arith.constant 2 : i32
      %eq3A_192 = arith.constant 0 : i32
      %eq3A_193 = arith.cmpi eq, %jit3A_191, %eq3A_192 : i32
      %jit3A_194 = arith.constant 1 : i32
      %select_n3A_195 = arith.select %eq3A_193, %jit3A_194, %jit3A_191 : i32
      %rem3A_196 = arith.remsi %add3A_189, %select_n3A_195 : i32
      %ne3A_197 = arith.constant 0 : i32
      %ne3A_198 = arith.cmpi ne, %rem3A_196, %ne3A_197 : i32
      %lt3A_199 = arith.constant 0 : i32
      %lt3A_200 = arith.cmpi slt, %rem3A_196, %lt3A_199 : i32
      %lt3A_201 = arith.constant 0 : i32
      %lt3A_202 = arith.cmpi slt, %select_n3A_195, %lt3A_201 : i32
      %ne3A_203 = arith.xori %lt3A_200, %lt3A_202 : i1
      %and3A_204 = arith.andi %ne3A_203, %ne3A_198 : i1
      %add3A_205 = arith.addi %rem3A_196, %select_n3A_195 : i32
      %select_n3A_206 = arith.select %and3A_204, %add3A_205, %rem3A_196 : i32
      %eq3A_207 = arith.constant 0 : i32
      %eq3A_208 = arith.cmpi eq, %select_n3A_206, %eq3A_207 : i32
      %gt3A_209 = arith.cmpi sgt, %select_n3A, %select_n3A_73 : i32
      %select_n3A_210 = arith.select %lt3A_190, %eq3A_208, %gt3A_209 : i1
      %lt3A_211 = arith.cmpi slt, %add3A_189, %mul3A_76 : i32
      %jit3A_212 = arith.constant 2 : i32
      %div3A_213 = arith.divsi %add3A_189, %jit3A_212 : i32
      %sign3A_214 = arith.constant 0 : i32
      %sign3A_215 = arith.cmpi sgt, %add3A_189, %sign3A_214 : i32
      %sign3A_216 = arith.extui %sign3A_215 : i1 to i32
      %sign3A_217 = arith.constant 0 : i32
      %sign3A_218 = arith.cmpi slt, %add3A_189, %sign3A_217 : i32
      %sign3A_219 = arith.extui %sign3A_218 : i1 to i32
      %sign3A_220 = arith.subi %sign3A_216, %sign3A_219 : i32
      %sign3A_221 = arith.constant 0 : i32
      %sign3A_222 = arith.cmpi sgt, %jit3A_212, %sign3A_221 : i32
      %sign3A_223 = arith.extui %sign3A_222 : i1 to i32
      %sign3A_224 = arith.constant 0 : i32
      %sign3A_225 = arith.cmpi slt, %jit3A_212, %sign3A_224 : i32
      %sign3A_226 = arith.extui %sign3A_225 : i1 to i32
      %sign3A_227 = arith.subi %sign3A_223, %sign3A_226 : i32
      %ne3A_228 = arith.cmpi ne, %sign3A_220, %sign3A_227 : i32
      %rem3A_229 = arith.remsi %add3A_189, %jit3A_212 : i32
      %ne3A_230 = arith.constant 0 : i32
      %ne3A_231 = arith.cmpi ne, %rem3A_229, %ne3A_230 : i32
      %and3A_232 = arith.andi %ne3A_228, %ne3A_231 : i1
      %sub3A_233 = arith.constant 1 : i32
      %sub3A_234 = arith.subi %div3A_213, %sub3A_233 : i32
      %select_n3A_235 = arith.select %and3A_232, %sub3A_234, %div3A_213 : i32
      %sub3A_236 = arith.subi %add3A_189, %mul3A_76 : i32
      %add3A_237 = arith.addi %sub3A_236, %min3A : i32
      %select_n3A_238 = arith.select %lt3A_211, %select_n3A_235, %add3A_237 : i32
      %lt3A_239 = arith.cmpi slt, %add3A_189, %add3A_74 : i32
      %ge3A_240 = arith.constant 3 : i32
      %ge3A_241 = arith.cmpi sge, %add3A_189, %ge3A_240 : i32
      %sub3A_242 = arith.constant 3 : i32
      %sub3A_243 = arith.subi %add3A_189, %sub3A_242 : i32
      %lt3A_244 = arith.cmpi slt, %sub3A_243, %add3A_74 : i32
      %and3A_245 = arith.andi %ge3A_241, %lt3A_244 : i1
      %convert_element_type3A_246 = arith.extui %and3A_245 : i1 to i32
      %cond3A_247 = arith.constant 0 : i32
      %cond3A_248 = arith.cmpi ne, %convert_element_type3A_246, %cond3A_247 : i32
      scf.if %cond3A_248 {
        %dma_wait3A = arith.constant 0 : i32
        %dma_wait3A_429 = arith.constant 0 : i32
        %dma_wait3A_430 = tpu.memref_slice %arg5[%dma_wait3A, %dma_wait3A_429] : memref<32768x1024xf32, #tpu.memory_space<hbm>> -> memref<32768x1024xf32, #tpu.memory_space<hbm>>
        tpu.wait_indirect_dma semaphore(%arg23 : memref<!tpu.dma_semaphore, #tpu.memory_space<semaphore_mem>>) src(%arg11 : memref<16x1024xf32, #tpu.memory_space<vmem>>) dst(%dma_wait3A_430 : memref<32768x1024xf32, #tpu.memory_space<hbm>>)
      } else {
      }
      %and3A_249 = arith.andi %lt3A_239, %select_n3A_210 : i1
      %convert_element_type3A_250 = arith.extui %and3A_249 : i1 to i32
      %cond3A_251 = arith.constant 0 : i32
      %cond3A_252 = arith.cmpi ne, %convert_element_type3A_250, %cond3A_251 : i32
      scf.if %cond3A_252 {
        %mul3A_429 = arith.constant 16 : i32
        %mul3A_430 = arith.muli %select_n3A_238, %mul3A_429 : i32
        %min3A_431 = arith.minsi %mul3A_430, %max3A_39 : i32
        %sub3A_432 = arith.subi %scan3A_8#0, %min3A_431 : i32
        %lt3A_433 = vector.broadcast %sub3A_432 : i32 to vector<16xi32>
        %lt3A_434 = arith.cmpi slt, %iota3A, %lt3A_433 : vector<16xi32>
        %get3A = arith.index_cast %min3A_431 : i32 to index
        %get3A_435 = tpu.vector_load %arg9[%get3A] {strides = array<i32>} : memref<1024xi32, #tpu.memory_space<vmem>>, vector<16xi32>,
        %select_n3A_436 = arith.select %lt3A_434, %get3A_435, %gather3A : vector<16xi1>, vector<16xi32>
        %get3A_437 = arith.index_cast %min3A_431 : i32 to index
        %get3A_438 = tpu.vector_load %arg8[%get3A_437] {strides = array<i32>} : memref<1024xi32, #tpu.memory_space<vmem>>, vector<16xi32>,
        %select_n3A_439 = arith.select %lt3A_434, %get3A_438, %gather3A_14 : vector<16xi1>, vector<16xi32>
        %swap3A = arith.constant 0 : index
        %swap3A_440 = tpu.vector_load %arg17[%swap3A] {strides = array<i32>} : memref<16xi32, #tpu.memory_space<vmem>>, vector<16xi32>,
        tpu.vector_store %arg17[%swap3A], %select_n3A_439 {strides = array<i32>} : memref<16xi32, #tpu.memory_space<vmem>>, vector<16xi32>,
        %parallel_loop3A = arith.constant 0 : i32
        %parallel_loop3A_441 = arith.constant 1024 : i32
        %parallel_loop3A_442 = arith.constant 1 : i32
        scf.for %parallel_loop3A_445 = %parallel_loop3A to %parallel_loop3A_441 step %parallel_loop3A_442  : i32 {
          %parallel_loop3A_446 = vector.broadcast %parallel_loop3A_445 : i32 to vector<16xi32>
          %parallel_loop3A_447 = arith.addi %mul3A_42, %parallel_loop3A_446 : vector<16xi32>
          %parallel_loop3A_448 = arith.constant 1023 : i32
          %parallel_loop3A_449 = vector.broadcast %parallel_loop3A_448 : i32 to vector<16xi32>
          %parallel_loop3A_450 = arith.andi %parallel_loop3A_447, %parallel_loop3A_449 : vector<16xi32>
          %parallel_loop3A_451 = tpu.vector_load_idx %arg6[%select_n3A_436, %parallel_loop3A_450] : memref<64x1024xf32, #tpu.memory_space<vmem>>[vector<16xi32>, vector<16xi32>], vector<16xf32>,
          tpu.vector_store_idx %arg11[%iota3A, %parallel_loop3A_450], %parallel_loop3A_451 : memref<16x1024xf32, #tpu.memory_space<vmem>>[vector<16xi32>, vector<16xi32>], vector<16xf32>,
        } {sc.loop_unroll_factor = 8 : i64, sc.parallel_access}
        %dma_start3A = arith.constant 0 : i32
        %dma_start3A_443 = arith.constant 0 : i32
        %dma_start3A_444 = tpu.memref_slice %arg5[%dma_start3A, %dma_start3A_443] : memref<32768x1024xf32, #tpu.memory_space<hbm>> -> memref<32768x1024xf32, #tpu.memory_space<hbm>>
        tpu.enqueue_indirect_dma source(%arg11 : memref<16x1024xf32, #tpu.memory_space<vmem>>) target(%dma_start3A_444 : memref<32768x1024xf32, #tpu.memory_space<hbm>>) offsets(%arg17 : memref<16xi32, #tpu.memory_space<vmem>>) semaphore(%arg23 : memref<!tpu.dma_semaphore, #tpu.memory_space<semaphore_mem>>)
      } else {
      }
      %not3A_253 = arith.constant true
      %not3A_254 = arith.xori %select_n3A_210, %not3A_253 : i1
      %and3A_255 = arith.andi %lt3A_239, %not3A_254 : i1
      %convert_element_type3A_256 = arith.extui %and3A_255 : i1 to i32
      %cond3A_257 = arith.constant 0 : i32
      %cond3A_258 = arith.cmpi ne, %convert_element_type3A_256, %cond3A_257 : i32
      scf.if %cond3A_258 {
        %mul3A_429 = arith.constant 16 : i32
        %mul3A_430 = arith.muli %select_n3A_238, %mul3A_429 : i32
        %add3A_431 = arith.addi %scan3A_8#0, %mul3A_430 : i32
        %min3A_432 = arith.constant 1008 : i32
        %min3A_433 = arith.minsi %add3A_431, %min3A_432 : i32
        %sub3A_434 = arith.subi %scan3A_8#0, %min3A_433 : i32
        %ge3A_435 = vector.broadcast %sub3A_434 : i32 to vector<16xi32>
        %ge3A_436 = arith.cmpi sge, %iota3A, %ge3A_435 : vector<16xi32>
        %get3A = arith.index_cast %min3A_433 : i32 to index
        %get3A_437 = tpu.vector_load %arg8[%get3A] {strides = array<i32>} : memref<1024xi32, #tpu.memory_space<vmem>>, vector<16xi32>,
        %select_n3A_438 = arith.select %ge3A_436, %get3A_437, %gather3A_45 : vector<16xi1>, vector<16xi32>
        %swap3A = arith.constant 0 : index
        %swap3A_439 = tpu.vector_load %arg14[%swap3A] {strides = array<i32>} : memref<16xi32, #tpu.memory_space<vmem>>, vector<16xi32>,
        tpu.vector_store %arg14[%swap3A], %select_n3A_438 {strides = array<i32>} : memref<16xi32, #tpu.memory_space<vmem>>, vector<16xi32>,
        %swap3A_440 = arith.constant 0 : index
        %swap3A_441 = tpu.vector_load %arg17[%swap3A_440] {strides = array<i32>} : memref<16xi32, #tpu.memory_space<vmem>>, vector<16xi32>,
        tpu.vector_store %arg17[%swap3A_440], %select_n3A_438 {strides = array<i32>} : memref<16xi32, #tpu.memory_space<vmem>>, vector<16xi32>,
        %dma_start3A = arith.constant 0 : i32
        %dma_start3A_442 = arith.constant 0 : i32
        %dma_start3A_443 = tpu.memref_slice %arg2[%dma_start3A, %dma_start3A_442] : memref<32768x1024xf32, #tpu.memory_space<hbm>> -> memref<32768x1024xf32, #tpu.memory_space<hbm>>
        tpu.enqueue_indirect_dma source(%dma_start3A_443 : memref<32768x1024xf32, #tpu.memory_space<hbm>>) target(%arg11 : memref<16x1024xf32, #tpu.memory_space<vmem>>) offsets(%arg14 : memref<16xi32, #tpu.memory_space<vmem>>) semaphore(%arg20 : memref<!tpu.dma_semaphore, #tpu.memory_space<semaphore_mem>>)
      } else {
      }
      %mul3A_259 = arith.constant 3 : i32
      %mul3A_260 = arith.muli %while3A_118, %mul3A_259 : i32
      %add3A_261 = arith.constant 2 : i32
      %add3A_262 = arith.addi %mul3A_260, %add3A_261 : i32
      %lt3A_263 = arith.cmpi slt, %add3A_262, %mul3A_76 : i32
      %jit3A_264 = arith.constant 2 : i32
      %eq3A_265 = arith.constant 0 : i32
      %eq3A_266 = arith.cmpi eq, %jit3A_264, %eq3A_265 : i32
      %jit3A_267 = arith.constant 1 : i32
      %select_n3A_268 = arith.select %eq3A_266, %jit3A_267, %jit3A_264 : i32
      %rem3A_269 = arith.remsi %add3A_262, %select_n3A_268 : i32
      %ne3A_270 = arith.constant 0 : i32
      %ne3A_271 = arith.cmpi ne, %rem3A_269, %ne3A_270 : i32
      %lt3A_272 = arith.constant 0 : i32
      %lt3A_273 = arith.cmpi slt, %rem3A_269, %lt3A_272 : i32
      %lt3A_274 = arith.constant 0 : i32
      %lt3A_275 = arith.cmpi slt, %select_n3A_268, %lt3A_274 : i32
      %ne3A_276 = arith.xori %lt3A_273, %lt3A_275 : i1
      %and3A_277 = arith.andi %ne3A_276, %ne3A_271 : i1
      %add3A_278 = arith.addi %rem3A_269, %select_n3A_268 : i32
      %select_n3A_279 = arith.select %and3A_277, %add3A_278, %rem3A_269 : i32
      %eq3A_280 = arith.constant 0 : i32
      %eq3A_281 = arith.cmpi eq, %select_n3A_279, %eq3A_280 : i32
      %gt3A_282 = arith.cmpi sgt, %select_n3A, %select_n3A_73 : i32
      %select_n3A_283 = arith.select %lt3A_263, %eq3A_281, %gt3A_282 : i1
      %lt3A_284 = arith.cmpi slt, %add3A_262, %mul3A_76 : i32
      %jit3A_285 = arith.constant 2 : i32
      %div3A_286 = arith.divsi %add3A_262, %jit3A_285 : i32
      %sign3A_287 = arith.constant 0 : i32
      %sign3A_288 = arith.cmpi sgt, %add3A_262, %sign3A_287 : i32
      %sign3A_289 = arith.extui %sign3A_288 : i1 to i32
      %sign3A_290 = arith.constant 0 : i32
      %sign3A_291 = arith.cmpi slt, %add3A_262, %sign3A_290 : i32
      %sign3A_292 = arith.extui %sign3A_291 : i1 to i32
      %sign3A_293 = arith.subi %sign3A_289, %sign3A_292 : i32
      %sign3A_294 = arith.constant 0 : i32
      %sign3A_295 = arith.cmpi sgt, %jit3A_285, %sign3A_294 : i32
      %sign3A_296 = arith.extui %sign3A_295 : i1 to i32
      %sign3A_297 = arith.constant 0 : i32
      %sign3A_298 = arith.cmpi slt, %jit3A_285, %sign3A_297 : i32
      %sign3A_299 = arith.extui %sign3A_298 : i1 to i32
      %sign3A_300 = arith.subi %sign3A_296, %sign3A_299 : i32
      %ne3A_301 = arith.cmpi ne, %sign3A_293, %sign3A_300 : i32
      %rem3A_302 = arith.remsi %add3A_262, %jit3A_285 : i32
      %ne3A_303 = arith.constant 0 : i32
      %ne3A_304 = arith.cmpi ne, %rem3A_302, %ne3A_303 : i32
      %and3A_305 = arith.andi %ne3A_301, %ne3A_304 : i1
      %sub3A_306 = arith.constant 1 : i32
      %sub3A_307 = arith.subi %div3A_286, %sub3A_306 : i32
      %select_n3A_308 = arith.select %and3A_305, %sub3A_307, %div3A_286 : i32
      %sub3A_309 = arith.subi %add3A_262, %mul3A_76 : i32
      %add3A_310 = arith.addi %sub3A_309, %min3A : i32
      %select_n3A_311 = arith.select %lt3A_284, %select_n3A_308, %add3A_310 : i32
      %lt3A_312 = arith.cmpi slt, %add3A_262, %add3A_74 : i32
      %ge3A_313 = arith.constant 3 : i32
      %ge3A_314 = arith.cmpi sge, %add3A_262, %ge3A_313 : i32
      %sub3A_315 = arith.constant 3 : i32
      %sub3A_316 = arith.subi %add3A_262, %sub3A_315 : i32
      %lt3A_317 = arith.cmpi slt, %sub3A_316, %add3A_74 : i32
      %and3A_318 = arith.andi %ge3A_314, %lt3A_317 : i1
      %convert_element_type3A_319 = arith.extui %and3A_318 : i1 to i32
      %cond3A_320 = arith.constant 0 : i32
      %cond3A_321 = arith.cmpi ne, %convert_element_type3A_319, %cond3A_320 : i32
      scf.if %cond3A_321 {
        %dma_wait3A = arith.constant 0 : i32
        %dma_wait3A_429 = arith.constant 0 : i32
        %dma_wait3A_430 = tpu.memref_slice %arg5[%dma_wait3A, %dma_wait3A_429] : memref<32768x1024xf32, #tpu.memory_space<hbm>> -> memref<32768x1024xf32, #tpu.memory_space<hbm>>
        tpu.wait_indirect_dma semaphore(%arg24 : memref<!tpu.dma_semaphore, #tpu.memory_space<semaphore_mem>>) src(%arg12 : memref<16x1024xf32, #tpu.memory_space<vmem>>) dst(%dma_wait3A_430 : memref<32768x1024xf32, #tpu.memory_space<hbm>>)
      } else {
      }
      %and3A_322 = arith.andi %lt3A_312, %select_n3A_283 : i1
      %convert_element_type3A_323 = arith.extui %and3A_322 : i1 to i32
      %cond3A_324 = arith.constant 0 : i32
      %cond3A_325 = arith.cmpi ne, %convert_element_type3A_323, %cond3A_324 : i32
      scf.if %cond3A_325 {
        %mul3A_429 = arith.constant 16 : i32
        %mul3A_430 = arith.muli %select_n3A_311, %mul3A_429 : i32
        %min3A_431 = arith.minsi %mul3A_430, %max3A_39 : i32
        %sub3A_432 = arith.subi %scan3A_8#0, %min3A_431 : i32
        %lt3A_433 = vector.broadcast %sub3A_432 : i32 to vector<16xi32>
        %lt3A_434 = arith.cmpi slt, %iota3A, %lt3A_433 : vector<16xi32>
        %get3A = arith.index_cast %min3A_431 : i32 to index
        %get3A_435 = tpu.vector_load %arg9[%get3A] {strides = array<i32>} : memref<1024xi32, #tpu.memory_space<vmem>>, vector<16xi32>,
        %select_n3A_436 = arith.select %lt3A_434, %get3A_435, %gather3A : vector<16xi1>, vector<16xi32>
        %get3A_437 = arith.index_cast %min3A_431 : i32 to index
        %get3A_438 = tpu.vector_load %arg8[%get3A_437] {strides = array<i32>} : memref<1024xi32, #tpu.memory_space<vmem>>, vector<16xi32>,
        %select_n3A_439 = arith.select %lt3A_434, %get3A_438, %gather3A_14 : vector<16xi1>, vector<16xi32>
        %swap3A = arith.constant 0 : index
        %swap3A_440 = tpu.vector_load %arg18[%swap3A] {strides = array<i32>} : memref<16xi32, #tpu.memory_space<vmem>>, vector<16xi32>,
        tpu.vector_store %arg18[%swap3A], %select_n3A_439 {strides = array<i32>} : memref<16xi32, #tpu.memory_space<vmem>>, vector<16xi32>,
        %parallel_loop3A = arith.constant 0 : i32
        %parallel_loop3A_441 = arith.constant 1024 : i32
        %parallel_loop3A_442 = arith.constant 1 : i32
        scf.for %parallel_loop3A_445 = %parallel_loop3A to %parallel_loop3A_441 step %parallel_loop3A_442  : i32 {
          %parallel_loop3A_446 = vector.broadcast %parallel_loop3A_445 : i32 to vector<16xi32>
          %parallel_loop3A_447 = arith.addi %mul3A_42, %parallel_loop3A_446 : vector<16xi32>
          %parallel_loop3A_448 = arith.constant 1023 : i32
          %parallel_loop3A_449 = vector.broadcast %parallel_loop3A_448 : i32 to vector<16xi32>
          %parallel_loop3A_450 = arith.andi %parallel_loop3A_447, %parallel_loop3A_449 : vector<16xi32>
          %parallel_loop3A_451 = tpu.vector_load_idx %arg6[%select_n3A_436, %parallel_loop3A_450] : memref<64x1024xf32, #tpu.memory_space<vmem>>[vector<16xi32>, vector<16xi32>], vector<16xf32>,
          tpu.vector_store_idx %arg12[%iota3A, %parallel_loop3A_450], %parallel_loop3A_451 : memref<16x1024xf32, #tpu.memory_space<vmem>>[vector<16xi32>, vector<16xi32>], vector<16xf32>,
        } {sc.loop_unroll_factor = 8 : i64, sc.parallel_access}
        %dma_start3A = arith.constant 0 : i32
        %dma_start3A_443 = arith.constant 0 : i32
        %dma_start3A_444 = tpu.memref_slice %arg5[%dma_start3A, %dma_start3A_443] : memref<32768x1024xf32, #tpu.memory_space<hbm>> -> memref<32768x1024xf32, #tpu.memory_space<hbm>>
        tpu.enqueue_indirect_dma source(%arg12 : memref<16x1024xf32, #tpu.memory_space<vmem>>) target(%dma_start3A_444 : memref<32768x1024xf32, #tpu.memory_space<hbm>>) offsets(%arg18 : memref<16xi32, #tpu.memory_space<vmem>>) semaphore(%arg24 : memref<!tpu.dma_semaphore, #tpu.memory_space<semaphore_mem>>)
      } else {
      }
      %not3A_326 = arith.constant true
      %not3A_327 = arith.xori %select_n3A_283, %not3A_326 : i1
      %and3A_328 = arith.andi %lt3A_312, %not3A_327 : i1
      %convert_element_type3A_329 = arith.extui %and3A_328 : i1 to i32
      %cond3A_330 = arith.constant 0 : i32
      %cond3A_331 = arith.cmpi ne, %convert_element_type3A_329, %cond3A_330 : i32
      scf.if %cond3A_331 {
        %mul3A_429 = arith.constant 16 : i32
        %mul3A_430 = arith.muli %select_n3A_311, %mul3A_429 : i32
        %add3A_431 = arith.addi %scan3A_8#0, %mul3A_430 : i32
        %min3A_432 = arith.constant 1008 : i32
        %min3A_433 = arith.minsi %add3A_431, %min3A_432 : i32
        %sub3A_434 = arith.subi %scan3A_8#0, %min3A_433 : i32
        %ge3A_435 = vector.broadcast %sub3A_434 : i32 to vector<16xi32>
        %ge3A_436 = arith.cmpi sge, %iota3A, %ge3A_435 : vector<16xi32>
        %get3A = arith.index_cast %min3A_433 : i32 to index
        %get3A_437 = tpu.vector_load %arg8[%get3A] {strides = array<i32>} : memref<1024xi32, #tpu.memory_space<vmem>>, vector<16xi32>,
        %select_n3A_438 = arith.select %ge3A_436, %get3A_437, %gather3A_45 : vector<16xi1>, vector<16xi32>
        %swap3A = arith.constant 0 : index
        %swap3A_439 = tpu.vector_load %arg15[%swap3A] {strides = array<i32>} : memref<16xi32, #tpu.memory_space<vmem>>, vector<16xi32>,
        tpu.vector_store %arg15[%swap3A], %select_n3A_438 {strides = array<i32>} : memref<16xi32, #tpu.memory_space<vmem>>, vector<16xi32>,
        %swap3A_440 = arith.constant 0 : index
        %swap3A_441 = tpu.vector_load %arg18[%swap3A_440] {strides = array<i32>} : memref<16xi32, #tpu.memory_space<vmem>>, vector<16xi32>,
        tpu.vector_store %arg18[%swap3A_440], %select_n3A_438 {strides = array<i32>} : memref<16xi32, #tpu.memory_space<vmem>>, vector<16xi32>,
        %dma_start3A = arith.constant 0 : i32
        %dma_start3A_442 = arith.constant 0 : i32
        %dma_start3A_443 = tpu.memref_slice %arg2[%dma_start3A, %dma_start3A_442] : memref<32768x1024xf32, #tpu.memory_space<hbm>> -> memref<32768x1024xf32, #tpu.memory_space<hbm>>
        tpu.enqueue_indirect_dma source(%dma_start3A_443 : memref<32768x1024xf32, #tpu.memory_space<hbm>>) target(%arg12 : memref<16x1024xf32, #tpu.memory_space<vmem>>) offsets(%arg15 : memref<16xi32, #tpu.memory_space<vmem>>) semaphore(%arg21 : memref<!tpu.dma_semaphore, #tpu.memory_space<semaphore_mem>>)
      } else {
      }
      %mul3A_332 = arith.constant 3 : i32
      %mul3A_333 = arith.muli %while3A_118, %mul3A_332 : i32
      %add3A_334 = arith.constant 0 : i32
      %add3A_335 = arith.addi %mul3A_333, %add3A_334 : i32
      %lt3A_336 = arith.cmpi slt, %add3A_335, %mul3A_76 : i32
      %jit3A_337 = arith.constant 2 : i32
      %eq3A_338 = arith.constant 0 : i32
      %eq3A_339 = arith.cmpi eq, %jit3A_337, %eq3A_338 : i32
      %jit3A_340 = arith.constant 1 : i32
      %select_n3A_341 = arith.select %eq3A_339, %jit3A_340, %jit3A_337 : i32
      %rem3A_342 = arith.remsi %add3A_335, %select_n3A_341 : i32
      %ne3A_343 = arith.constant 0 : i32
      %ne3A_344 = arith.cmpi ne, %rem3A_342, %ne3A_343 : i32
      %lt3A_345 = arith.constant 0 : i32
      %lt3A_346 = arith.cmpi slt, %rem3A_342, %lt3A_345 : i32
      %lt3A_347 = arith.constant 0 : i32
      %lt3A_348 = arith.cmpi slt, %select_n3A_341, %lt3A_347 : i32
      %ne3A_349 = arith.xori %lt3A_346, %lt3A_348 : i1
      %and3A_350 = arith.andi %ne3A_349, %ne3A_344 : i1
      %add3A_351 = arith.addi %rem3A_342, %select_n3A_341 : i32
      %select_n3A_352 = arith.select %and3A_350, %add3A_351, %rem3A_342 : i32
      %eq3A_353 = arith.constant 0 : i32
      %eq3A_354 = arith.cmpi eq, %select_n3A_352, %eq3A_353 : i32
      %gt3A_355 = arith.cmpi sgt, %select_n3A, %select_n3A_73 : i32
      %select_n3A_356 = arith.select %lt3A_336, %eq3A_354, %gt3A_355 : i1
      %lt3A_357 = arith.cmpi slt, %add3A_335, %add3A_74 : i32
      %not3A_358 = arith.constant true
      %not3A_359 = arith.xori %select_n3A_356, %not3A_358 : i1
      %and3A_360 = arith.andi %lt3A_357, %not3A_359 : i1
      %convert_element_type3A_361 = arith.extui %and3A_360 : i1 to i32
      %cond3A_362 = arith.constant 0 : i32
      %cond3A_363 = arith.cmpi ne, %convert_element_type3A_361, %cond3A_362 : i32
      scf.if %cond3A_363 {
        %dma_wait3A = arith.constant 0 : i32
        %dma_wait3A_429 = arith.constant 0 : i32
        %dma_wait3A_430 = tpu.memref_slice %arg2[%dma_wait3A, %dma_wait3A_429] : memref<32768x1024xf32, #tpu.memory_space<hbm>> -> memref<32768x1024xf32, #tpu.memory_space<hbm>>
        tpu.wait_indirect_dma semaphore(%arg19 : memref<!tpu.dma_semaphore, #tpu.memory_space<semaphore_mem>>) src(%dma_wait3A_430 : memref<32768x1024xf32, #tpu.memory_space<hbm>>) dst(%arg10 : memref<16x1024xf32, #tpu.memory_space<vmem>>)
        %dma_start3A = arith.constant 0 : i32
        %dma_start3A_431 = arith.constant 0 : i32
        %dma_start3A_432 = tpu.memref_slice %arg5[%dma_start3A, %dma_start3A_431] : memref<32768x1024xf32, #tpu.memory_space<hbm>> -> memref<32768x1024xf32, #tpu.memory_space<hbm>>
        tpu.enqueue_indirect_dma source(%arg10 : memref<16x1024xf32, #tpu.memory_space<vmem>>) target(%dma_start3A_432 : memref<32768x1024xf32, #tpu.memory_space<hbm>>) offsets(%arg16 : memref<16xi32, #tpu.memory_space<vmem>>) semaphore(%arg22 : memref<!tpu.dma_semaphore, #tpu.memory_space<semaphore_mem>>)
      } else {
      }
      %mul3A_364 = arith.constant 3 : i32
      %mul3A_365 = arith.muli %while3A_118, %mul3A_364 : i32
      %add3A_366 = arith.constant 1 : i32
      %add3A_367 = arith.addi %mul3A_365, %add3A_366 : i32
      %lt3A_368 = arith.cmpi slt, %add3A_367, %mul3A_76 : i32
      %jit3A_369 = arith.constant 2 : i32
      %eq3A_370 = arith.constant 0 : i32
      %eq3A_371 = arith.cmpi eq, %jit3A_369, %eq3A_370 : i32
      %jit3A_372 = arith.constant 1 : i32
      %select_n3A_373 = arith.select %eq3A_371, %jit3A_372, %jit3A_369 : i32
      %rem3A_374 = arith.remsi %add3A_367, %select_n3A_373 : i32
      %ne3A_375 = arith.constant 0 : i32
      %ne3A_376 = arith.cmpi ne, %rem3A_374, %ne3A_375 : i32
      %lt3A_377 = arith.constant 0 : i32
      %lt3A_378 = arith.cmpi slt, %rem3A_374, %lt3A_377 : i32
      %lt3A_379 = arith.constant 0 : i32
      %lt3A_380 = arith.cmpi slt, %select_n3A_373, %lt3A_379 : i32
      %ne3A_381 = arith.xori %lt3A_378, %lt3A_380 : i1
      %and3A_382 = arith.andi %ne3A_381, %ne3A_376 : i1
      %add3A_383 = arith.addi %rem3A_374, %select_n3A_373 : i32
      %select_n3A_384 = arith.select %and3A_382, %add3A_383, %rem3A_374 : i32
      %eq3A_385 = arith.constant 0 : i32
      %eq3A_386 = arith.cmpi eq, %select_n3A_384, %eq3A_385 : i32
      %gt3A_387 = arith.cmpi sgt, %select_n3A, %select_n3A_73 : i32
      %select_n3A_388 = arith.select %lt3A_368, %eq3A_386, %gt3A_387 : i1
      %lt3A_389 = arith.cmpi slt, %add3A_367, %add3A_74 : i32
      %not3A_390 = arith.constant true
      %not3A_391 = arith.xori %select_n3A_388, %not3A_390 : i1
      %and3A_392 = arith.andi %lt3A_389, %not3A_391 : i1
      %convert_element_type3A_393 = arith.extui %and3A_392 : i1 to i32
      %cond3A_394 = arith.constant 0 : i32
      %cond3A_395 = arith.cmpi ne, %convert_element_type3A_393, %cond3A_394 : i32
      scf.if %cond3A_395 {
        %dma_wait3A = arith.constant 0 : i32
        %dma_wait3A_429 = arith.constant 0 : i32
        %dma_wait3A_430 = tpu.memref_slice %arg2[%dma_wait3A, %dma_wait3A_429] : memref<32768x1024xf32, #tpu.memory_space<hbm>> -> memref<32768x1024xf32, #tpu.memory_space<hbm>>
        tpu.wait_indirect_dma semaphore(%arg20 : memref<!tpu.dma_semaphore, #tpu.memory_space<semaphore_mem>>) src(%dma_wait3A_430 : memref<32768x1024xf32, #tpu.memory_space<hbm>>) dst(%arg11 : memref<16x1024xf32, #tpu.memory_space<vmem>>)
        %dma_start3A = arith.constant 0 : i32
        %dma_start3A_431 = arith.constant 0 : i32
        %dma_start3A_432 = tpu.memref_slice %arg5[%dma_start3A, %dma_start3A_431] : memref<32768x1024xf32, #tpu.memory_space<hbm>> -> memref<32768x1024xf32, #tpu.memory_space<hbm>>
        tpu.enqueue_indirect_dma source(%arg11 : memref<16x1024xf32, #tpu.memory_space<vmem>>) target(%dma_start3A_432 : memref<32768x1024xf32, #tpu.memory_space<hbm>>) offsets(%arg17 : memref<16xi32, #tpu.memory_space<vmem>>) semaphore(%arg23 : memref<!tpu.dma_semaphore, #tpu.memory_space<semaphore_mem>>)
      } else {
      }
      %mul3A_396 = arith.constant 3 : i32
      %mul3A_397 = arith.muli %while3A_118, %mul3A_396 : i32
      %add3A_398 = arith.constant 2 : i32
      %add3A_399 = arith.addi %mul3A_397, %add3A_398 : i32
      %lt3A_400 = arith.cmpi slt, %add3A_399, %mul3A_76 : i32
      %jit3A_401 = arith.constant 2 : i32
      %eq3A_402 = arith.constant 0 : i32
      %eq3A_403 = arith.cmpi eq, %jit3A_401, %eq3A_402 : i32
      %jit3A_404 = arith.constant 1 : i32
      %select_n3A_405 = arith.select %eq3A_403, %jit3A_404, %jit3A_401 : i32
      %rem3A_406 = arith.remsi %add3A_399, %select_n3A_405 : i32
      %ne3A_407 = arith.constant 0 : i32
      %ne3A_408 = arith.cmpi ne, %rem3A_406, %ne3A_407 : i32
      %lt3A_409 = arith.constant 0 : i32
      %lt3A_410 = arith.cmpi slt, %rem3A_406, %lt3A_409 : i32
      %lt3A_411 = arith.constant 0 : i32
      %lt3A_412 = arith.cmpi slt, %select_n3A_405, %lt3A_411 : i32
      %ne3A_413 = arith.xori %lt3A_410, %lt3A_412 : i1
      %and3A_414 = arith.andi %ne3A_413, %ne3A_408 : i1
      %add3A_415 = arith.addi %rem3A_406, %select_n3A_405 : i32
      %select_n3A_416 = arith.select %and3A_414, %add3A_415, %rem3A_406 : i32
      %eq3A_417 = arith.constant 0 : i32
      %eq3A_418 = arith.cmpi eq, %select_n3A_416, %eq3A_417 : i32
      %gt3A_419 = arith.cmpi sgt, %select_n3A, %select_n3A_73 : i32
      %select_n3A_420 = arith.select %lt3A_400, %eq3A_418, %gt3A_419 : i1
      %lt3A_421 = arith.cmpi slt, %add3A_399, %add3A_74 : i32
      %not3A_422 = arith.constant true
      %not3A_423 = arith.xori %select_n3A_420, %not3A_422 : i1
      %and3A_424 = arith.andi %lt3A_421, %not3A_423 : i1
      %convert_element_type3A_425 = arith.extui %and3A_424 : i1 to i32
      %cond3A_426 = arith.constant 0 : i32
      %cond3A_427 = arith.cmpi ne, %convert_element_type3A_425, %cond3A_426 : i32
      scf.if %cond3A_427 {
        %dma_wait3A = arith.constant 0 : i32
        %dma_wait3A_429 = arith.constant 0 : i32
        %dma_wait3A_430 = tpu.memref_slice %arg2[%dma_wait3A, %dma_wait3A_429] : memref<32768x1024xf32, #tpu.memory_space<hbm>> -> memref<32768x1024xf32, #tpu.memory_space<hbm>>
        tpu.wait_indirect_dma semaphore(%arg21 : memref<!tpu.dma_semaphore, #tpu.memory_space<semaphore_mem>>) src(%dma_wait3A_430 : memref<32768x1024xf32, #tpu.memory_space<hbm>>) dst(%arg12 : memref<16x1024xf32, #tpu.memory_space<vmem>>)
        %dma_start3A = arith.constant 0 : i32
        %dma_start3A_431 = arith.constant 0 : i32
        %dma_start3A_432 = tpu.memref_slice %arg5[%dma_start3A, %dma_start3A_431] : memref<32768x1024xf32, #tpu.memory_space<hbm>> -> memref<32768x1024xf32, #tpu.memory_space<hbm>>
        tpu.enqueue_indirect_dma source(%arg12 : memref<16x1024xf32, #tpu.memory_space<vmem>>) target(%dma_start3A_432 : memref<32768x1024xf32, #tpu.memory_space<hbm>>) offsets(%arg18 : memref<16xi32, #tpu.memory_space<vmem>>) semaphore(%arg24 : memref<!tpu.dma_semaphore, #tpu.memory_space<semaphore_mem>>)
      } else {
      }
      %while3A_428 = arith.constant 0 : i32
      scf.yield %while3A_428 : i32
    }
    return
  }
}

</mosaic_0001>

<sc_bundles>
// kernel: kernel.3.cloned.1.call-start
scs
__scs_entry_jumppad:
0x0: {  	(pc) =	sbr.rel $0x88, $3  }
0x1: {  	(tag) =	ssettag $0x0;
	lr =	simm.s32 $0x1  }
0x2: {  	[smem:$0x3F9D] =	sst lr;
	_ =	strace $0xD0000000  }
0x3: {  	_ = 	snop  }
0x4: {  	_ = 	snop  }
0x5: {  	_ = 	snop  }
0x6: {  	_ = 	snop  }
0x7: {  	_ = 	snop  }
__scs_overlays_trampoline_lowered:
0x8: {  	[smem:$0x3FAC] =	sst s0  }
0x9: {  	[smem:$0x3FAD] =	sst s1  }
0xa: {  	[smem:$0x3FAE] =	sst s2  }
0xb: {  	[smem:$0x3FAF] =	sst s3  }
0xc: {  	[smem:$0x3FB0] =	sst s4  }
0xd: {  	[smem:$0x3FB1] =	sst s5  }
0xe: {  	[smem:$0x3FB2] =	sst s6  }
0xf: {  	[smem:$0x3FB3] =	sst s7  }
0x10: {  	[smem:$0x3FB4] =	sst s8  }
0x11: {  	[smem:$0x3FB5] =	sst s9;
	s0 =	simm.s32 @!p0 $0x0  }
0x12: {  	s1 =	sld [smem:$0x3F9B];
	s0 =	simm.s32 @p0 $0x1  }
0x13: {  	[smem:$0x3FB6] =	sst s0;
	s0 =	simm.s32 @!p1 $0x0  }
0x14: {  	s2 =	sld [smem:$0x3F9A];
	s0 =	simm.s32 @p1 $0x1  }
0x15: {  	[smem:$0x3FB7] =	sst s0;
	s0 =	simm.s32 @!p2 $0x0  }
0x16: {  	s3 =	sld [smem:$0x3FDB];
	s0 =	simm.s32 @p2 $0x1  }
0x17: {  	s4 =	simm.s32 $0x1BF5;
	[smem:$0x3FB9] =	sst s0  }
0x18: {  	s0 =	sld [smem:$0x3F9C];
	_ =	swait.ge [sflag:s4], $0x0  }
0x19: {  	s7 =	sld [smem:$0x3F9D]  }
0x1a: {  	s8 =	sadd.s32 $0xFFFFE003, lr  }
0x1b: {  	s9 =	sadd.s32 $0xFFFFFEF7, lr;
	s5 =	simm.s32 $0xFFFFFFFF;
	p2 =	slt.u32 s8, $0xFFFFF086  }
0x1c: {  	p1 =	slt.u32 s9, $0xF7A;
	s5 =	simm.s32 @!p2 $0x0  }
0x1d: {  	s5 =	simm.s32 @p1 $0x1;
	p0 =	seq.s32 s7, s2  }
0x1e: {  	s7 =	smul.u32 @!p0 $0xF7A, s2;
	p2 =	seq.s32 @!p0 s5, $0x0  }
0x1f: {  	s9 =	smul.u32 $0xF7A, s1;
	s8 =	simm.s32 @!p0 $0x1BF5;
	p2 =	por !p2, p0  }
0x20: {  	[sflag:s8] =	ssyncset.s32 @!p0 $0xFFFFF086;
	s6 =	sadd.s32 @!p0 s3, s7;
	s7 =	simm.s32 @!p0 $0x108  }
0x21: {  	s3 =	sadd.s32 s3, s9;
	s6 =	sadd.s32 @!p0 $0x88, s6;
	s7 =	simm.s32 @p2 $0x1082  }
0x22: {  	[simem:s7], [sflag:s8] =	dma.local @!p0 [hbm:s6], $0xF7A  }
0x23: {  	s9 =	sor.u32 $0xD0000000, s2;
	s6 =	simm.s32 $0x108;
	_ =	swait.ge @!p0 [sflag:s8], $0x0  }
0x24: {  	s3 =	sadd.s32 $0x88, s3;
	s6 =	simm.s32 @!p1 $0x1082;
	[sflag:s4] =	ssyncset.s32 $0xFFFFF086  }
0x25: {  	[simem:s6], [sflag:s4] =	dma.local [hbm:s3], $0xF7A  }
0x26: {  	[smem:$0x3F9D] =	sst s1;
	(tag) =	ssettag s2;
	_ =	strace s9  }
0x27: {  	s1 =	sld [smem:$0x3FAD]  }
0x28: {  	s2 =	sld [smem:$0x3FAE]  }
0x29: {  	s4 =	sld [smem:$0x3FB0]  }
0x2a: {  	p0 =	seq.s32 s5, $0x0;
	s5 =	sld [smem:$0x3FB1]  }
0x2b: {  	s6 =	sld [smem:$0x3FB2]  }
0x2c: {  	s7 =	sld [smem:$0x3FB3]  }
0x2d: {  	s3 =	simm.s32 $0x108;
	s8 =	sld [smem:$0x3FB4]  }
0x2e: {  	s3 =	simm.s32 @!p0 $0x1082;
	s9 =	sld [smem:$0x3FB5]  }
0x2f: {  	lr =	sadd.s32 s0, s3;
	s0 =	sld [smem:$0x3FAC]  }
0x30: {  	s3 =	sld [smem:$0x3FAF]  }
0x31: {  	[smem:$0x3FB8] =	sst s10  }
0x32: {  	s10 =	sld [smem:$0x3FB6];
	_ =	sdelay $0x3  }
0x33: {  	p0 =	seq.s32 s10, $0x1;
	s10 =	sld [smem:$0x3FB8];
	_ =	sdelay $0x3  }
0x34: {  	[smem:$0x3FB8] =	sst s10  }
0x35: {  	s10 =	sld [smem:$0x3FB7];
	_ =	sdelay $0x3  }
0x36: {  	p1 =	seq.s32 s10, $0x1;
	s10 =	sld [smem:$0x3FB8];
	_ =	sdelay $0x3  }
0x37: {  	[smem:$0x3FB8] =	sst s10  }
0x38: {  	s10 =	sld [smem:$0x3FB9]  }
0x39: {  	_ = 	snop;
	(pc) =	sbr.ind lr, $3  }
0x3a: {  	_ = 	snop  }
0x3b: {  	_ = 	snop  }
0x3c: {  	p2 =	seq.s32 s10, $0x1;
	s10 =	sld [smem:$0x3FB8]  }
0x3d: {  	_ =	shalt  }
0x3e: {  	_ =	shalt  }
0x3f: {  	_ =	shalt  }
0x40: {  	_ =	shalt  }
0x41: {  	_ =	shalt  }
0x42: {  	_ =	shalt  }
0x43: {  	_ =	shalt  }
0x44: {  	_ =	shalt  }
0x45: {  	_ =	shalt  }
0x46: {  	_ =	shalt  }
0x47: {  	_ =	shalt  }
0x48: {  	_ =	shalt  }
0x49: {  	_ =	shalt  }
0x4a: {  	_ =	shalt  }
0x4b: {  	_ =	shalt  }
0x4c: {  	_ =	shalt  }
0x4d: {  	_ =	shalt  }
0x4e: {  	_ =	shalt  }
0x4f: {  	_ =	shalt  }
0x50: {  	_ =	shalt  }
0x51: {  	_ =	shalt  }
0x52: {  	_ =	shalt  }
0x53: {  	_ =	shalt  }
0x54: {  	_ =	shalt  }
0x55: {  	_ =	shalt  }
0x56: {  	_ =	shalt  }
0x57: {  	_ =	shalt  }
0x58: {  	_ =	shalt  }
0x59: {  	_ =	shalt  }
0x5a: {  	_ =	shalt  }
0x5b: {  	_ =	shalt  }
0x5c: {  	_ =	shalt  }
0x5d: {  	_ =	shalt  }
0x5e: {  	_ =	shalt  }
0x5f: {  	_ =	shalt  }
0x60: {  	_ =	shalt  }
0x61: {  	_ =	shalt  }
0x62: {  	_ =	shalt  }
0x63: {  	_ =	shalt  }
0x64: {  	_ =	shalt  }
0x65: {  	_ =	shalt  }
0x66: {  	_ =	shalt  }
0x67: {  	_ =	shalt  }
0x68: {  	_ =	shalt  }
0x69: {  	_ =	shalt  }
0x6a: {  	_ =	shalt  }
0x6b: {  	_ =	shalt  }
0x6c: {  	_ =	shalt  }
0x6d: {  	_ =	shalt  }
0x6e: {  	_ =	shalt  }
0x6f: {  	_ =	shalt  }
0x70: {  	_ =	shalt  }
0x71: {  	_ =	shalt  }
0x72: {  	_ =	shalt  }
0x73: {  	_ =	shalt  }
0x74: {  	_ =	shalt  }
0x75: {  	_ =	shalt  }
0x76: {  	_ =	shalt  }
0x77: {  	_ =	shalt  }
0x78: {  	_ =	shalt  }
0x79: {  	_ =	shalt  }
0x7a: {  	_ =	shalt  }
0x7b: {  	_ =	shalt  }
0x7c: {  	_ =	shalt  }
0x7d: {  	_ =	shalt  }
0x7e: {  	_ =	shalt  }
0x7f: {  	_ =	shalt  }
0x80: {  	_ =	shalt  }
0x81: {  	_ =	shalt  }
0x82: {  	_ =	shalt  }
0x83: {  	_ =	shalt  }
0x84: {  	_ =	shalt  }
0x85: {  	_ =	shalt  }
0x86: {  	_ =	shalt  }
0x87: {  	_ =	shalt  }
.Lfunc_end0:
.L_simem_size_0:
called_computation_lowered:
.L_overlay_start_0:
0x88: {  	s2 =	sld [smem:$0x3FD9]  }
0x89: {  	s3 =	sld [smem:$0x3FFE];
	_ =	sdelay $0x1  }
0x8a: {  	s1 =	srdreg.scid  }
0x8b: {  	s0 =	sand.u32 $0x1, s1  }
0x8c: {  	s17 =	sshll.u32 s0, $0xA;
	s2 =	sadd.s32 s3, s2  }
0x8d: {  	s2 =	sadd.s32 s2, s17  }
0x8e: {  	[smem:$0x3FC4] =	sst s2  }
0x8f: {  	_ = 	snop  }
0x90: {  	s2 =	sld [smem:$0x3FC9]  }
0x91: {  	s18 =	sld [smem:$0x3FC6]  }
0x92: {  	s4 =	sld [smem:$0x3FD0];
	(tm) =	ssettm $0x1  }
0x93: {  	s5 =	sld [smem:$0x3FFB];
	_ =	sdelay $0x3  }
0x94: {  	_ =	strace s5  }
0x95: {  	s5 =	sld [smem:$0x3FFC];
	_ =	sdelay $0x3  }
0x96: {  	_ =	strace s5  }
0x97: {  	s5 =	sld [smem:$0x3FFD];
	_ =	sdelay $0x3  }
0x98: {  	_ =	strace s5  }
0x99: {  	_ =	strace $0x8FFFFFFF  }
0x9a: {  	s19 =	sld [smem:$0x3FDB];
	_ =	sdelay $0x1  }
0x9b: {  	s6 =	simm.s32 $_scs_section_size  }
0x9c: {  	s7 =	simm.s32 $_size__tile_overlayer_lowered;
	s8 =	simm.s32 $_tile_overlayer_lowered  }
0x9d: {  	s22 =	simm.s32 $0x1BFF;
	s21 =	sshll.u32 s8, $0x1;
	s5 =	sadd.s32 s6, s19  }
0x9e: {  	s9 =	simm.s32 $0x0;
	s20 =	sshll.u32 s7, $0x1;
	s7 =	sadd.s32 s21, s5  }
0x9f: {  	[timem:s9], [sflag:s22] =	dma.local [hbm:s7], s20  }
0xa0: {  	_ =	swait.ge [sflag:s22], s20  }
0xa1: {  	s6 =	ssub.s32 $0x0, s20;
	[sflag:s22] =	ssyncset.done $0x0  }
0xa2: {  	[sflag:s22] =	ssyncadd.s32 s6;
	_ =	sdelay $0x1  }
0xa3: {  	s23 =	simm.s32 $0x1B8B  }
0xa4: {  	_ =	swait.ge [sflag:s23], $0x1  }
0xa5: {  	[sflag:s23] =	ssyncset.done $0x0  }
0xa6: {  	s25 =	simm.s32 $0x1B8E;
	s24 =	sld [smem:$0x3FFE];
	[sflag:s23] =	ssyncadd.s32 $0xFFFFFFFF  }
0xa7: {  	s26 =	simm.s32 $execute0_lowered;
	[smem:$0x3FD2] =	sst s25  }
0xa8: {  	s7 =	sshll.u32 s26, $0x1;
	_ =	strace $0x80000046;
	[dreg:$0x1] =	wrdreg $0xFFFFFFFF  }
0xa9: {  	s28 =	simm.s32 $_size_execute0_lowered;
	s5 =	sadd.s32 s5, s7;
	[dreg:$0x0] =	wrdreg $0x0  }
0xaa: {  	s7 =	sshll.u32 s28, $0x1;
	[dreg:$0x2] =	wrdreg s5  }
0xab: {  	[dreg:$0x3] =	wrdreg s7  }
0xac: {  	[dreg:$0x4] =	wrdreg $0xC0  }
0xad: {  	_ =	task [dreg:s9], $0x5FFFF  }
0xae: {  	[dreg:$0x1] =	wrdreg $0xFFFFFFFF  }
0xaf: {  	[dreg:$0x0] =	wrdreg $0x60  }
0xb0: {  	[dreg:$0x2] =	wrdreg s2  }
0xb1: {  	[dreg:$0x3] =	wrdreg s24  }
0xb2: {  	[dreg:$0x4] =	wrdreg s18  }
0xb3: {  	[dreg:$0x5] =	wrdreg s4  }
0xb4: {  	[dreg:$0x6] =	wrdreg $0x9  }
0xb5: {  	_ =	task.clear_ibuf [dreg:s9], $0x7FFFF;
	_ =	strace $0x90000046  }
0xb6: {  	s29 =	simm.s32 $0x9;
	_ =	strace $0x80000048  }
0xb7: {  	_ =	swait.ge [sflag:s29], $0x1  }
0xb8: {  	[sflag:s29] =	ssyncadd.s32 $0xFFFFFFFF  }
0xb9: {  	_ =	strace $0x90000048  }
0xba: {  	_ =	sfence  }
0xbb: {  	s30 =	sld [smem:$0x0];
	_ =	sdelay $0x2  }
0xbc: {  	s31 =	sshll.u32 s1, $0xD;
	s1 =	sshrl.u32 s1, $0x2  }
0xbd: {  	s3 =	sand.u32 $0x4000, s31;
	s1 =	sadd.s32 s1, s30  }
0xbe: {  	s0 =	sor.u32 s3, s0;
	s1 =	sshll.u32 s1, $0x11  }
0xbf: {  	s0 =	sor.u32 s1, s0  }
0xc0: {  	s0 =	sadd.s32 $0x8F2B, s0  }
0xc1: {  	[sflag:s0] =	ssyncadd.remote.s32 $0x1  }
0xc2: {  	_ =	sfence.sel $0xFFFF  }
0xc3: {  	[dreg:$0x0] =	wrdreg $0xFFFFFFFF;
	(pc) =	sbr.abs _section_cstart, $3  }
0xc4: {  	[dreg:$0x1] =	wrdreg $0xFFFFFFFF  }
0xc5: {  	_ =	task.clear_ibuf [dreg:s9], $0x2FFFF;
	_ =	strace $0x9FFFFFFF  }
0xc6: {  	(tm) =	ssettm $0x7FFFFFFF  }
0xc7: {  	_ =	shalt  }
tec
execute0_lowered:
.L_overlay_start_1:
0x0: {  	(tag) =	ssettag $0x1  }
0x1: {  	v0 =	vimm.s32 $0x2380;
	vm0 =	vcmask $0x300  }
0x2: {  	v0 =	vsel vm0, $0x0, v0;
	vm0 =	vcmask $0x704  }
0x3: {  	v0 =	vsel vm0, $0x80, v0;
	vm0 =	vcmask $0xB08  }
0x4: {  	v0 =	vsel vm0, $0x100, v0;
	vm0 =	vcmask $0xF0C  }
0x5: {  	s23 =	rddreg [dreg:$0x0];
	v0 =	vsel vm0, $0x180, v0;
	vm0 =	vcmask $0x1310  }
0x6: {  	s0 =	rddreg [dreg:$0x1];
	s1 =	srdreg.scid;
	v0 =	vsel vm0, $0x200, v0;
	vm0 =	vcmask $0x1714  }
0x7: {  	s2 =	stileid.u32;
	s4 =	rddreg [dreg:$0x3];
	v0 =	vsel vm0, $0x280, v0;
	vm0 =	vcmask $0x1B18  }
0x8: {  	s6 =	simm.s32 $0x0;
	s17 =	simm.s32 $0x10400;
	s18 =	simm.s32 $0x10800;
	v0 =	vsel vm0, $0x300, v0;
	vm0 =	vcmask $0x1F1C  }
0x9: {  	s19 =	simm.s32 $0x10C00;
	s28 =	simm.s32 $0x14C00;
	s7 =	simm.s32 $0x18C00;
	v0 =	vsel vm0, $0x380, v0;
	vm0 =	vcmask $0x2320  }
0xa: {  	s1 =	sand.u32 $0x1, s1;
	s2 =	sshll.u32 s2, $0xB;
	[smem:$0x7FF] =	sst s6;
	v0 =	vsel vm0, $0x2000, v0;
	vm0 =	vcmask $0x2724  }
0xb: {  	s8 =	sadd.s32 $0x100, s4;
	s9 =	sadd.s32 $0x200, s4;
	s10 =	sadd.s32 $0x300, s4;
	v1 =	vsel vm0, $0x2080, v0;
	vm0 =	vcmask $0x2B28  }
0xc: {  	s22 =	sadd.s32 $0x100, s23;
	s3 =	sshll.u32 s1, $0xA;
	s1 =	ssub.s32 $0x2, s1;
	v0 =	vimm.s32 $0x0;
	v2 =	vsel vm0, $0x2100, v1;
	vm0 =	vcmask $0x2F2C  }
.Ltmp0:
0xd: {  	s2 =	sor.u32 s3, s2;
	s30 =	sshrl.u32 s1, $0x1;
	v1 =	vlaneseq.u32;
	v3 =	vsel vm0, $0x2180, v2;
	vm0 =	vcmask $0x3330;
	(pc) =	sbr.rel .LBB2_1-.Ltmp0, $4  }
0xe: {  	[dreg:$0x5] =	wrdreg s2;
	s2 =	sshrl.u32 s2, $0x3;
	s1 =	ssub.s32 s1, s30;
	v2 =	vimm.s32 $0x3FF;
	v5 =	vand.u32 $0x7, v1;
	v6 =	vshrl.u32 v1, $0x3  }
0xf: {  	s12 =	sadd.s32 $0x200, s23;
	s0 =	sadd.s32 s2, s0;
	s31 =	smax.u32 s1, $0x1;
	v7 =	vor.u32 $0x8, v1;
	v4 =	vsel vm0, $0x2200, v3;
	vm0 =	vcmask $0x3734  }
0x10: {  	_ =	strace $0x80000047;
	s0 =	sadd.s32 $0x400, s0;
	[dreg:$0x7] =	wrdreg s31;
	v3 =	vmul.u32 $0x41, v1;
	v4 =	vsel vm0, $0x2280, v4;
	vm0 =	vcmask $0x3B38  }
0x11: {  	s13 =	sadd.s32 $0x300, s23;
	s1 =	simm.s32 $0x0;
	[dreg:$0x6] =	wrdreg s0;
	v6 =	vmul.u32 $0x8, v6;
	v4 =	vsel vm0, $0x2300, v4;
	vm0 =	vmmov $0xffff  }
.LBB2_18:
0x12: {  	s1 =	rddreg [dreg:$0x8]  }
0x13: {  	s0 =	rddreg [dreg:$0x7];
	s1 =	sadd.s32 $0x1, s1  }
0x14: {  	p0 =	sne.s32 s1, s0  }
.Ltmp1:
0x15: {  	_ = 	snop;
	(pc) =	sbr.rel @!p0 .LBB2_19-.Ltmp1, $1  }
0x16: {  	_ =	sdelay $0x3  }
.LBB2_1:
0x17: {  	[dreg:$0x8] =	wrdreg s1  }
0x18: {  	s0 =	rddreg [dreg:$0x2];
	s25 =	simm.s32 $0x7  }
0x19: {  	[tilespmem:s6], [sflag:$0x7] =	stream.linear.gather [hbm4b:s0+s6], $0x10000, $0x38;
	[tilespmem:$0x1CF00] =	vst v63  }
0x1a: {  	_ =	swait.ge [sflag:s25], $0x10000  }
0x1b: {  	[sflag:s25] =	ssyncset.done $0x0  }
0x1c: {  	s2 =	simm.s32 $0x10000;
	s26 =	rddreg [dreg:$0x6];
	[sflag:s25] =	ssyncadd.s32 $0xFFFF0000  }
0x1d: {  	[tilespmem:s2], [sflag:$0x7] =	stream.linear.gather [hbm4b:s26+s6], $0x400, $0x38;
	[tilespmem:$0x1CF00] =	vst v63  }
0x1e: {  	_ =	swait.ge [sflag:s25], $0x400  }
0x1f: {  	[sflag:s25] =	ssyncset.done $0x0  }
0x20: {  	s29 =	simm.s32 $0x0;
	[sflag:s25] =	ssyncadd.s32 $0xFFFFFC00  }
0x21: {  	v10 =	vld [tilespmem:s29+$0x10000];
	_ =	sdelay $0x4  }
0x22: {  	vm2 =	vgt.s32 v10, $0xFFFFFFFF  }
0x23: {  	v8 =	vsel vm2, $0x1, v0  }
0x24: {  	vm1 =	vle.s32 v10, $0xFFFFFFFF;
	(xrf0) =	vadd.scan.msk.s32 $0xffff, v8  }
0x25: {  	v8 =	vsel vm1, $0x1, v0  }
0x26: {  	(xrf0) =	vadd.scan.msk.s32 $0xffff, v8;
	_ =	sdelay $0x3  }
0x27: {  	s30 =	simm.s32 $0xFFFFFFFF;
	v9, _, _ =	vpop (xrf0)  }
0x28: {  	v11 =	vadd.s32 s30, v9;
	(v2sf) =	vpush v9, $0xF  }
0x29: {  	s31 =	simm.s32 $0x400;
	v12, _, _ =	vpop (xrf0)  }
0x2a: {  	v9 =	vsub.s32 s31, v12  }
0x2b: {  	s5 =	rddreg [dreg:$0x5]  }
0x2c: {  	v8 =	vor.u32 s5, v1  }
0x2d: {  	s1 =	simm.s32 $0x3FF;
	s3 =	simm.s32 $0x40;
	[tilespmem:v11+s17+$0x0] =	vst.idx.msk vm2, v8  }
0x2e: {  	s4 =	simm.s32 $0x80;
	s2 =	simm.s32 $0x0;
	s0 =	smov.u32 s5;
	[tilespmem:v11+s18+$0x0] =	vst.idx.msk vm2, v10  }
.LBB2_2:
0x2f: {  	p0 =	sne.s32 s4, $0xFC0;
	s5 =	sshra.s32 s3, $0x2;
	[tilespmem:v9+s17+$0x0] =	vst.idx.msk vm1, v8;
	s3 =	smov.u32 s4  }
0x30: {  	v10 =	vld [tilespmem:s5+$0x10000];
	_ =	sdelay $0x4  }
0x31: {  	vm1 =	vle.s32 v10, $0xFFFFFFFF;
	vm2 =	vgt.s32 v10, $0xFFFFFFFF  }
0x32: {  	v8 =	vsel vm2, $0x1, v0  }
0x33: {  	(xrf0) =	vadd.scan.msk.s32 $0xffff, v8;
	s5 =	spop (v2sf)  }
0x34: {  	v8 =	vsel vm1, $0x1, v0;
	s2 =	sadd.s32 s2, s5;
	s1 =	sadd.s32 s5, s1  }
0x35: {  	s5 =	sadd.s32 $0xFFFFFFFF, s2;
	(xrf0) =	vadd.scan.msk.s32 $0xffff, v8;
	s1 =	sadd.s32 $0xFFFFFFF0, s1;
	_ =	sdelay $0x3  }
0x36: {  	v8, _, _ =	vpop (xrf0)  }
0x37: {  	v11 =	vadd.s32 s5, v8;
	(v2sf) =	vpush v8, $0xF  }
0x38: {  	s5 =	sadd.s32 $0x1, s1;
	v8, _, _ =	vpop (xrf0)  }
.Ltmp2:
0x39: {  	v9 =	vsub.s32 s5, v8;
	(pc) =	sbr.rel @p0 .LBB2_2-.Ltmp2, $4  }
0x3a: {  	s0 =	sadd.s32 $0x10, s0  }
0x3b: {  	v8 =	vor.u32 s0, v1  }
0x3c: {  	[tilespmem:v11+s17+$0x0] =	vst.idx.msk vm2, v8  }
0x3d: {  	s4 =	sadd.s32 $0x40, s4;
	[tilespmem:v11+s18+$0x0] =	vst.idx.msk vm2, v10  }
0x3e: {  	_ =	sdelay $0x4  }
0x3f: {  	s3 =	sshra.s32 s3, $0x2;
	[tilespmem:v9+s17+$0x0] =	vst.idx.msk vm1, v8  }
0x40: {  	v8 =	vld [tilespmem:s3+$0x10000];
	_ =	sdelay $0x4  }
0x41: {  	vm1 =	vgt.s32 v8, $0xFFFFFFFF  }
0x42: {  	v63 =	vsel vm1, $0x1, v0  }
0x43: {  	(xrf0) =	vadd.scan.msk.s32 $0xffff, v63;
	_ =	sdelay $0x5  }
0x44: {  	v9, _, _ =	vpop (xrf0)  }
0x45: {  	(v2sf) =	vpush v9, $0xF;
	_ =	sdelay $0xd  }
0x46: {  	s5 =	spop (v2sf)  }
0x47: {  	s14 =	sadd.s32 s2, s5;
	s3 =	spop (v2sf)  }
0x48: {  	s25 =	sadd.s32 s14, s3  }
0x49: {  	s2 =	sadd.s32 $0xF, s25  }
0x4a: {  	s15 =	simm.s32 $0x1;
	p0 =	sne.s32 s25, $0x40F;
	s4 =	sshra.s32 s2, $0x1F  }
0x4b: {  	p1 =	slt.s32 s2, $0x1;
	s3 =	sshrl.u32 s4, $0x1C;
	s4 =	ssub.s32 $0x40F, s25  }
0x4c: {  	s15 =	simm.s32 @!p0 $0x0;
	s3 =	sadd.s32 s3, s2;
	s16 =	sshra.s32 s4, $0x1F  }
0x4d: {  	s2 =	sand.u32 $0xF, s2;
	s20 =	sand.u32 $0xF, s4;
	s15 =	sor.u32 s15, s16  }
0x4e: {  	p6 =	sne.s32 s2, $0x0;
	p3 =	sne.s32 s20, $0x0;
	s11 =	sshra.s32 s3, $0x4  }
0x4f: {  	s3 =	simm.s32 $0x1;
	s16 =	sshrl.u32 s16, $0x1C;
	p2 =	sne.s32 s15, $0x1  }
0x50: {  	p0 =	por !p1, !p6;
	s4 =	sadd.s32 s16, s4;
	p4 =	por !p3, !p2  }
0x51: {  	s15 =	simm.s32 $0x1;
	p0 =	por !p0, !p0;
	p1 =	por !p4, !p4  }
0x52: {  	s4 =	sshra.s32 s4, $0x4;
	s3 =	simm.s32 @!p0 $0x0;
	s15 =	simm.s32 @!p1 $0x0  }
0x53: {  	s2 =	ssub.s32 s11, s3;
	s3 =	ssub.s32 s4, s15  }
0x54: {  	s26 =	sadd.s32 s2, s3  }
0x55: {  	s20 =	sadd.s32 $0x2, s26  }
0x56: {  	s21 =	smulhi.u32 $0x55555556, s20;
	s15 =	sshra.s32 s20, $0x1F  }
0x57: {  	vm2 =	vle.s32 v8, $0xFFFFFFFF;
	s15 =	smul.u32 $0x55555556, s15  }
0x58: {  	v10 =	vsel vm2, $0x1, v0  }
0x59: {  	(xrf0) =	vadd.scan.msk.s32 $0xffff, v10;
	s4 =	sadd.s32 s15, s21  }
0x5a: {  	s15 =	sshrl.u32 s4, $0x1F  }
0x5b: {  	s4 =	sadd.s32 s15, s4  }
0x5c: {  	s29 =	smul.u32 $0xFFFFFFFD, s4  }
0x5d: {  	s1 =	sadd.s32 s5, s1;
	s30 =	ssub.s32 $0xFFFFFFFE, s26  }
0x5e: {  	s1 =	sadd.s32 $0xFFFFFFF0, s1;
	p6 =	slt.s32 s26, $0xFFFFFFFF;
	p5 =	sne.s32 s29, s30  }
0x5f: {  	s1 =	sadd.s32 $0x1, s1;
	v10, _, _ =	vpop (xrf0);
	p0 =	por !p6, !p5  }
0x60: {  	s24 =	sadd.s32 $0xFFFFFFFF, s14;
	v10 =	vsub.s32 s1, v10;
	s1 =	simm.s32 $0x1;
	p0 =	por !p0, !p0  }
0x61: {  	v9 =	vadd.s32 s24, v9;
	s1 =	simm.s32 @!p0 $0x0  }
0x62: {  	s31 =	ssub.s32 s4, s1  }
0x63: {  	p1 =	slt.s32 s31, $0x0  }
.Ltmp3:
0x64: {  	s0 =	sadd.s32 $0x10, s0;
	(pc) =	sbr.rel @p1 .LBB2_18-.Ltmp3, $4  }
0x65: {  	v11 =	vor.u32 s0, v1  }
0x66: {  	[tilespmem:v9+s17+$0x0] =	vst.idx.msk vm1, v11  }
0x67: {  	[tilespmem:v9+s18+$0x0] =	vst.idx.msk vm1, v8  }
0x68: {  	[tilespmem:v10+s17+$0x0] =	vst.idx.msk vm2, v11;
	[dreg:$0x9] =	wrdreg s20  }
0x69: {  	s0 =	sadd.s32 $0xFFFFFFFF, s25  }
0x6a: {  	p1 =	sgt.s32 s0, $0x0  }
0x6b: {  	s0 =	simm.s32 @!p1 $0x0  }
0x6c: {  	v8 =	vmov s0  }
0x6d: {  	v9 =	vbroadcast v8, $0x0  }
0x6e: {  	s1 =	sadd.s32 $0xFFFFFFF0, s25;
	s31 =	sadd.s32 $0x3, s26;
	s0 =	simm.s32 $0xFFFFFFFF  }
0x6f: {  	s15 =	smov.u32 s3;
	[dreg:$0xc] =	wrdreg s31;
	s0 =	simm.s32 @!p0 $0x0  }
.Ltmp4:
0x70: {  	p0 =	sgt.s32 s1, $0x0;
	s0 =	sadd.s32 s0, s4;
	(pc) =	sbr.rel .LBB2_5-.Ltmp4, $4  }
0x71: {  	s1 =	simm.s32 @!p0 $0x0;
	p0 =	sgt.s32 s2, s3;
	s0 =	sadd.s32 $0x1, s0  }
0x72: {  	v10 =	vld.idx.msk [tilespmem:v2+s17+$0x0], $0xffff;
	p1 =	slt.s32 s2, s3;
	[dreg:$0xb] =	wrdreg s0;
	s0 =	simm.s32 @!p0 $0x0  }
0x73: {  	s15 =	smov.u32 @p1 s2;
	[dreg:$0xa] =	wrdreg s1;
	s0 =	simm.s32 @p0 $0x1;
	v8 =	vld.idx.msk [tilespmem:v9+s18+$0x0], $0xffff  }
0x74: {  	s16 =	simm.s32 $0x0;
	s4 =	sshll.u32 s15, $0x1;
	[smem:$0x7FD] =	sst s0;
	v9 =	vld.idx.msk [tilespmem:v9+s17+$0x0], $0xffff  }
.LBB2_17:
0x75: {  	p0 =	slt.s32 s29, s26  }
0x76: {  	p0 =	por !p0, !p2  }
0x77: {  	p2 =	por !p0, !p0  }
0x78: {  	s1 =	sshll.u32 @p2 s14, $0x4  }
0x79: {  	s1 =	sadd.s32 @p2 s25, s1  }
0x7a: {  	p0 =	slt.s32 @p2 s1, $0x3F0  }
0x7b: {  	p0 =	por !p0, !p2  }
0x7c: {  	s1 =	simm.s32 @p0 $0x3F0  }
0x7d: {  	v14 =	vld @p2 [tilespmem:s1+$0x10400];
	_ =	sdelay $0x1  }
0x7e: {  	v15 =	vlaneseq.u32 @p2;
	s1 =	ssub.s32 @p2 s25, s1  }
0x7f: {  	v17 =	vadd.s32 @p2 $0x1, v15;
	v16 =	vmov @p2 s1  }
0x80: {  	vm3 =	vlt.s32 @p2 v16, v17  }
0x81: {  	v14 =	vsel @p2 vm3, v14, v10  }
0x82: {  	[tilespmem:$0x1CD00] =	vst @p2 v14  }
0x83: {  	v16 =	vld @p2 [tilespmem:$0x1CD00];
	_ =	sdelay $0x4  }
0x84: {  	v17 =	vshll.u32 @p2 v16, $0x3  }
0x85: {  	v16 =	vand.u32 @p2 $0x7, v16;
	v17 =	vand.u32 @p2 $0xFFFFFFC0, v17  }
0x86: {  	v18 =	vshrl.u32 @p2 v15, $0x3;
	v16 =	vor.u32 @p2 v16, v17;
	v17 =	vand.u32 @p2 $0x7, v15  }
0x87: {  	v18 =	vmul.u32 @p2 $0x8, v18;
	v19 =	vperm.xlane @p2 v16, v17;
	_ =	sdelay $0x1  }
0x88: {  	v19 =	vadd.s32 @p2 v18, v19;
	_ =	sdelay $0x3  }
0x89: {  	s14 =	simm.s32 @p2 $0x18C00;
	s1 =	simm.s32 @p2 $0x0;
	vm3 =	vmmov @p2 $0xffff;
	[tilespmem:$0x1CE80] =	vst @p2 v14  }
0x8a: {  	v14 =	vor.u32 @p2 $0x8, v15;
	[tilespmem:s14], [sflag:$0x3] =	stream.indirect_vreg.gather @p2 [hbm4b:s23+s1], $0x80, v19, vm3, $0xb8;
	[tilespmem:$0x1CF00] =	vst v63  }
0x8b: {  	s29 =	simm.s32 @p2 $0x19400;
	v15 =	vperm.xlane @p2 v16, v14  }
0x8c: {  	[tilespmem:s29], [sflag:$0x3] =	stream.indirect_vreg.gather @p2 [hbm4b:s22+s1], $0x80, v19, vm3, $0xb8;
	[tilespmem:$0x1CF00] =	vst v63  }
0x8d: {  	s3 =	simm.s32 @p2 $0x19C00;
	v15 =	vadd.s32 @p2 v18, v15  }
0x8e: {  	[tilespmem:s3], [sflag:$0x3] =	stream.indirect_vreg.gather @p2 [hbm4b:s12+s1], $0x80, v19, vm3, $0xb8;
	[tilespmem:$0x1CF00] =	vst v63  }
0x8f: {  	s30 =	simm.s32 @p2 $0x1A400  }
0x90: {  	[tilespmem:s30], [sflag:$0x3] =	stream.indirect_vreg.gather @p2 [hbm4b:s13+s1], $0x80, v19, vm3, $0xb8;
	[tilespmem:$0x1CF00] =	vst v63  }
0x91: {  	s31 =	simm.s32 @p2 $0x1AC00  }
0x92: {  	[tilespmem:s31], [sflag:$0x3] =	stream.indirect_vreg.gather @p2 [hbm4b:s23+s1], $0x80, v15, vm3, $0xb8;
	[tilespmem:$0x1CF00] =	vst v63  }
0x93: {  	s11 =	simm.s32 @p2 $0x1B400  }
0x94: {  	[tilespmem:s11], [sflag:$0x3] =	stream.indirect_vreg.gather @p2 [hbm4b:s22+s1], $0x80, v15, vm3, $0xb8;
	[tilespmem:$0x1CF00] =	vst v63  }
0x95: {  	s2 =	simm.s32 @p2 $0x1BC00  }
0x96: {  	[tilespmem:s2], [sflag:$0x3] =	stream.indirect_vreg.gather @p2 [hbm4b:s12+s1], $0x80, v15, vm3, $0xb8;
	[tilespmem:$0x1CF00] =	vst v63  }
0x97: {  	s21 =	simm.s32 @p1 $0x1;
	s20 =	simm.s32 @p2 $0x1C400  }
0x98: {  	[tilespmem:s20], [sflag:$0x3] =	stream.indirect_vreg.gather @p2 [hbm4b:s13+s1], $0x80, v15, vm3, $0xb8;
	[tilespmem:$0x1CF00] =	vst v63  }
0x99: {  	_ =	swait.ge @p1 [sflag:s21], $0x4000  }
0x9a: {  	[sflag:s21] =	ssyncset.done @p1 $0x0  }
0x9b: {  	[sflag:s21] =	ssyncadd.s32 @p1 $0xFFFFC000  }
0x9c: {  	v15 =	vld @p1 [tilespmem:$0x1CD80];
	_ =	sdelay $0x4  }
0x9d: {  	v16 =	vshll.u32 @p1 v15, $0x3  }
0x9e: {  	v19 =	vlaneseq.u32 @p1;
	v15 =	vand.u32 @p1 $0x7, v15;
	v16 =	vand.u32 @p1 $0xFFFFFFC0, v16  }
0x9f: {  	v20 =	vshrl.u32 @p1 v19, $0x3;
	v15 =	vor.u32 @p1 v15, v16;
	v16 =	vand.u32 @p1 $0x7, v19  }
0xa0: {  	v20 =	vmul.u32 @p1 $0x8, v20;
	v16 =	vperm.xlane @p1 v15, v16;
	_ =	sdelay $0x1  }
0xa1: {  	v16 =	vadd.s32 @p1 v20, v16;
	_ =	sdelay $0x2  }
0xa2: {  	s0 =	smov.u32 s22  }
0xa3: {  	s22 =	simm.s32 @p1 $0x10C00;
	s21 =	simm.s32 @p1 $0x0;
	s24 =	rddreg [dreg:$0x3]  }
0xa4: {  	v19 =	vor.u32 @p1 $0x8, v19;
	[hbm4b:s24+s21] =	stream.indirect_vreg.scatter @p1 [tilespmem:s22], [sflag:$0x4], $0x80, v16, vm1, $0xb8;
	[tilespmem:$0x1CF00] =	vst v63  }
0xa5: {  	v15 =	vperm.xlane @p1 v15, v19;
	s22 =	simm.s32 @p1 $0x11400  }
0xa6: {  	[hbm4b:s8+s21] =	stream.indirect_vreg.scatter @p1 [tilespmem:s22], [sflag:$0x4], $0x80, v16, vm1, $0xb8;
	[tilespmem:$0x1CF00] =	vst v63  }
0xa7: {  	v15 =	vadd.s32 @p1 v20, v15;
	s22 =	simm.s32 @p1 $0x11C00  }
0xa8: {  	[hbm4b:s9+s21] =	stream.indirect_vreg.scatter @p1 [tilespmem:s22], [sflag:$0x4], $0x80, v16, vm1, $0xb8;
	[tilespmem:$0x1CF00] =	vst v63  }
0xa9: {  	s22 =	simm.s32 @p1 $0x12400  }
0xaa: {  	[hbm4b:s10+s21] =	stream.indirect_vreg.scatter @p1 [tilespmem:s22], [sflag:$0x4], $0x80, v16, vm1, $0xb8;
	[tilespmem:$0x1CF00] =	vst v63  }
0xab: {  	s22 =	simm.s32 @p1 $0x12C00  }
0xac: {  	[hbm4b:s24+s21] =	stream.indirect_vreg.scatter @p1 [tilespmem:s22], [sflag:$0x4], $0x80, v15, vm1, $0xb8;
	[tilespmem:$0x1CF00] =	vst v63  }
0xad: {  	s22 =	simm.s32 @p1 $0x13400  }
0xae: {  	[hbm4b:s8+s21] =	stream.indirect_vreg.scatter @p1 [tilespmem:s22], [sflag:$0x4], $0x80, v15, vm1, $0xb8;
	[tilespmem:$0x1CF00] =	vst v63  }
0xaf: {  	s22 =	simm.s32 @p1 $0x13C00  }
0xb0: {  	[hbm4b:s9+s21] =	stream.indirect_vreg.scatter @p1 [tilespmem:s22], [sflag:$0x4], $0x80, v15, vm1, $0xb8;
	[tilespmem:$0x1CF00] =	vst v63  }
0xb1: {  	s22 =	simm.s32 @p1 $0x14400  }
0xb2: {  	[hbm4b:s10+s21] =	stream.indirect_vreg.scatter @p1 [tilespmem:s22], [sflag:$0x4], $0x80, v15, vm1, $0xb8;
	[tilespmem:$0x1CF00] =	vst v63  }
0xb3: {  	s21 =	simm.s32 @p4 $0x2  }
0xb4: {  	_ =	swait.ge @p4 [sflag:s21], $0x4000  }
0xb5: {  	[sflag:s21] =	ssyncset.done @p4 $0x0  }
0xb6: {  	[sflag:s21] =	ssyncadd.s32 @p4 $0xFFFFC000  }
0xb7: {  	v15 =	vld @p4 [tilespmem:$0x1CE00];
	_ =	sdelay $0x4  }
0xb8: {  	v16 =	vshll.u32 @p4 v15, $0x3  }
0xb9: {  	v15 =	vand.u32 @p4 $0x7, v15;
	v16 =	vand.u32 @p4 $0xFFFFFFC0, v16  }
0xba: {  	v15 =	vor.u32 @p4 v15, v16  }
0xbb: {  	v12 =	vperm.xlane @p4 v15, v12;
	_ =	sdelay $0x1  }
0xbc: {  	v12 =	vadd.s32 @p4 v11, v12;
	_ =	sdelay $0x3  }
0xbd: {  	s22 =	smov.u32 s0;
	s0 =	simm.s32 @p4 $0x14C00  }
0xbe: {  	[hbm4b:s24+s5] =	stream.indirect_vreg.scatter @p4 [tilespmem:s0], [sflag:$0x5], $0x80, v12, vm2, $0xb8;
	[tilespmem:$0x1CF00] =	vst v63  }
0xbf: {  	v13 =	vperm.xlane @p4 v15, v13;
	s0 =	simm.s32 @p4 $0x15400  }
0xc0: {  	[hbm4b:s8+s5] =	stream.indirect_vreg.scatter @p4 [tilespmem:s0], [sflag:$0x5], $0x80, v12, vm2, $0xb8;
	[tilespmem:$0x1CF00] =	vst v63  }
0xc1: {  	v11 =	vadd.s32 @p4 v11, v13;
	s0 =	simm.s32 @p4 $0x15C00  }
0xc2: {  	[hbm4b:s9+s5] =	stream.indirect_vreg.scatter @p4 [tilespmem:s0], [sflag:$0x5], $0x80, v12, vm2, $0xb8;
	[tilespmem:$0x1CF00] =	vst v63  }
0xc3: {  	s0 =	simm.s32 @p4 $0x16400  }
0xc4: {  	[hbm4b:s10+s5] =	stream.indirect_vreg.scatter @p4 [tilespmem:s0], [sflag:$0x5], $0x80, v12, vm2, $0xb8;
	[tilespmem:$0x1CF00] =	vst v63  }
0xc5: {  	s0 =	simm.s32 @p4 $0x16C00  }
0xc6: {  	[hbm4b:s24+s5] =	stream.indirect_vreg.scatter @p4 [tilespmem:s0], [sflag:$0x5], $0x80, v11, vm2, $0xb8;
	[tilespmem:$0x1CF00] =	vst v63  }
0xc7: {  	s0 =	simm.s32 @p4 $0x17400  }
0xc8: {  	[hbm4b:s8+s5] =	stream.indirect_vreg.scatter @p4 [tilespmem:s0], [sflag:$0x5], $0x80, v11, vm2, $0xb8;
	[tilespmem:$0x1CF00] =	vst v63  }
0xc9: {  	s0 =	simm.s32 @p4 $0x17C00  }
0xca: {  	[hbm4b:s9+s5] =	stream.indirect_vreg.scatter @p4 [tilespmem:s0], [sflag:$0x5], $0x80, v11, vm2, $0xb8;
	[tilespmem:$0x1CF00] =	vst v63  }
0xcb: {  	s0 =	simm.s32 @p4 $0x18400  }
0xcc: {  	[hbm4b:s10+s5] =	stream.indirect_vreg.scatter @p4 [tilespmem:s0], [sflag:$0x5], $0x80, v11, vm2, $0xb8;
	[tilespmem:$0x1CF00] =	vst v63  }
0xcd: {  	s0 =	simm.s32 @p2 $0x3  }
0xce: {  	_ =	swait.ge @p2 [sflag:s0], $0x4000  }
0xcf: {  	[sflag:s0] =	ssyncset.done @p2 $0x0  }
0xd0: {  	[sflag:s0] =	ssyncadd.s32 @p2 $0xFFFFC000  }
0xd1: {  	v11 =	vld @p2 [tilespmem:$0x1CE80];
	_ =	sdelay $0x4  }
0xd2: {  	v12 =	vshll.u32 @p2 v11, $0x3  }
0xd3: {  	v11 =	vand.u32 @p2 $0x7, v11;
	v12 =	vand.u32 @p2 $0xFFFFFFC0, v12  }
0xd4: {  	v11 =	vor.u32 @p2 v11, v12  }
0xd5: {  	v12 =	vperm.xlane @p2 v11, v17;
	_ =	sdelay $0x1  }
0xd6: {  	v12 =	vadd.s32 @p2 v18, v12;
	_ =	sdelay $0x4  }
0xd7: {  	[hbm4b:s24+s1] =	stream.indirect_vreg.scatter @p2 [tilespmem:s14], [sflag:$0x6], $0x80, v12, vm3, $0xb8;
	[tilespmem:$0x1CF00] =	vst v63  }
0xd8: {  	v11 =	vperm.xlane @p2 v11, v14  }
0xd9: {  	[hbm4b:s8+s1] =	stream.indirect_vreg.scatter @p2 [tilespmem:s29], [sflag:$0x6], $0x80, v12, vm3, $0xb8;
	[tilespmem:$0x1CF00] =	vst v63  }
0xda: {  	v11 =	vadd.s32 @p2 v18, v11  }
0xdb: {  	[hbm4b:s9+s1] =	stream.indirect_vreg.scatter @p2 [tilespmem:s3], [sflag:$0x6], $0x80, v12, vm3, $0xb8;
	[tilespmem:$0x1CF00] =	vst v63  }
0xdc: {  	_ = 	snop  }
0xdd: {  	[hbm4b:s10+s1] =	stream.indirect_vreg.scatter @p2 [tilespmem:s30], [sflag:$0x6], $0x80, v12, vm3, $0xb8;
	[tilespmem:$0x1CF00] =	vst v63  }
0xde: {  	_ = 	snop  }
0xdf: {  	[hbm4b:s24+s1] =	stream.indirect_vreg.scatter @p2 [tilespmem:s31], [sflag:$0x6], $0x80, v11, vm3, $0xb8;
	[tilespmem:$0x1CF00] =	vst v63  }
0xe0: {  	s16 =	sadd.s32 $0x1, s16;
	s31 =	rddreg [dreg:$0xb]  }
0xe1: {  	p0 =	sne.s32 s16, s31  }
0xe2: {  	[hbm4b:s8+s1] =	stream.indirect_vreg.scatter @p2 [tilespmem:s11], [sflag:$0x6], $0x80, v11, vm3, $0xb8;
	[tilespmem:$0x1CF00] =	vst v63  }
.Ltmp5:
0xe3: {  	_ = 	snop;
	(pc) =	sbr.rel @!p0 .LBB2_18-.Ltmp5, $4  }
0xe4: {  	_ = 	snop  }
0xe5: {  	[hbm4b:s9+s1] =	stream.indirect_vreg.scatter @p2 [tilespmem:s2], [sflag:$0x6], $0x80, v11, vm3, $0xb8;
	[tilespmem:$0x1CF00] =	vst v63  }
0xe6: {  	_ = 	snop  }
0xe7: {  	[hbm4b:s10+s1] =	stream.indirect_vreg.scatter @p2 [tilespmem:s20], [sflag:$0x6], $0x80, v11, vm3, $0xb8;
	[tilespmem:$0x1CF00] =	vst v63  }
.LBB2_5:
0xe8: {  	s14 =	smul.u32 $0x3, s16  }
0xe9: {  	s31 =	sld [smem:$0x7FD]  }
0xea: {  	s0 =	sand.u32 $0x1, s14  }
0xeb: {  	p3 =	seq.s32 s16, $0x0;
	s1 =	rddreg [dreg:$0xc];
	p2 =	seq.s32 s0, $0x0  }
0xec: {  	p4 =	slt.s32 s14, s4;
	p0 =	seq.s32 s31, $0x1;
	p5 =	por p2, p2  }
0xed: {  	p1 =	sge.s32 @!p3 s14, s1;
	p5 =	por @!p4 p0, p0  }
0xee: {  	p6 =	por p1, p3;
	p0 =	sge.s32 s14, s26;
	p1 =	por !p5, !p5  }
0xef: {  	p0 =	por p0, p1  }
.Ltmp6:
0xf0: {  	_ = 	snop;
	(pc) =	sbr.rel @p0 .LBB2_9-.Ltmp6, $4  }
0xf1: {  	s3 =	simm.s32 @!p6 $0x4  }
0xf2: {  	_ =	swait.ge @!p6 [sflag:s3], $0x4000  }
0xf3: {  	s1 =	sshrl.u32 s14, $0x1;
	s2 =	ssub.s32 s14, s15;
	[sflag:s3] =	ssyncset.done @!p6 $0x0  }
0xf4: {  	s2 =	smov.u32 @p4 s1;
	[sflag:s3] =	ssyncadd.s32 @!p6 $0xFFFFC000  }
0xf5: {  	s1 =	sshll.u32 s2, $0x4;
	s3 =	rddreg [dreg:$0xa]  }
0xf6: {  	p0 =	slt.s32 s1, s3  }
0xf7: {  	s3 =	smov.u32 @p0 s1  }
0xf8: {  	s11 =	simm.s32 $0x0;
	s21 =	simm.s32 $0x6;
	v11 =	vld [tilespmem:s3+$0x10800]  }
0xf9: {  	s24 =	simm.s32 $0x5;
	s29 =	simm.s32 $0x4;
	s30 =	simm.s32 $0x3;
	v14 =	vadd.s32 s11, v3;
	v17 =	vadd.s32 s21, v3  }
0xfa: {  	s31 =	simm.s32 $0x2;
	v19 =	vadd.s32 s24, v3;
	v22 =	vadd.s32 s29, v3;
	v24 =	vadd.s32 s30, v3;
	s1 =	ssub.s32 s25, s3  }
0xfb: {  	v28 =	vadd.s32 s31, v3;
	v15 =	vand.u32 $0x7F, v14;
	v12 =	vmov s1  }
0xfc: {  	v18 =	vshll.u32 v17, $0x3;
	v17 =	vand.u32 $0x7F, v17;
	vm1 =	vgt.s32 v12, v1;
	v12 =	vld [tilespmem:s3+$0x10400]  }
0xfd: {  	v23 =	vshll.u32 v22, $0x3;
	v22 =	vand.u32 $0x7F, v22;
	v11 =	vsel vm1, v11, v8  }
0xfe: {  	v29 =	vshll.u32 v28, $0x3;
	v13 =	vshll.u32 v11, $0xA;
	v11 =	vshll.u32 v11, $0x7  }
0xff: {  	v18 =	vand.u32 $0x1C00, v18;
	v13 =	vand.u32 $0xFFFFE000, v13;
	v11 =	vand.u32 $0x380, v11  }
0x100: {  	s20 =	simm.s32 $0x7;
	v23 =	vand.u32 $0x1C00, v23;
	v11 =	vor.u32 v13, v11;
	v13 =	vshll.u32 v14, $0x3  }
0x101: {  	v26 =	vsel vm1, v12, v9;
	v14 =	vadd.s32 s20, v3;
	v12 =	vand.u32 $0x1C00, v13  }
0x102: {  	v13 =	vor.u32 v15, v11;
	v16 =	vand.u32 $0x7F, v14;
	v14 =	vshll.u32 v14, $0x3  }
0x103: {  	v20 =	vor.u32 v17, v11;
	v27 =	vor.u32 v22, v11;
	v13 =	vor.u32 v12, v13  }
0x104: {  	v12 =	vor.u32 v15, v12;
	v14 =	vand.u32 $0x1C00, v14;
	v15 =	vor.u32 v16, v11  }
0x105: {  	v25 =	vor.u32 v18, v20;
	v20 =	vand.u32 $0x7F, v24;
	v24 =	vshll.u32 v24, $0x3  }
0x106: {  	v27 =	vor.u32 v23, v27;
	v15 =	vor.u32 v14, v15;
	v14 =	vor.u32 v16, v14  }
0x107: {  	v16 =	vand.u32 $0x7F, v19;
	v19 =	vshll.u32 v19, $0x3;
	v24 =	vand.u32 $0x1C00, v24  }
0x108: {  	v30 =	vor.u32 v20, v11;
	v19 =	vand.u32 $0x1C00, v19;
	v21 =	vor.u32 v16, v11  }
0x109: {  	s5 =	simm.s32 $0x8;
	s1 =	simm.s32 $0x1;
	[tilespmem:$0x1CD80] =	vst v26;
	v12 =	vor.u32 v4, v12;
	v26 =	vor.u32 v24, v30;
	v21 =	vor.u32 v19, v21  }
.LBB2_7:
0x10a: {  	p4 =	slt.u32 s5, $0x3F8;
	v30 =	vadd.s32 s1, v3;
	v28 =	vand.u32 $0x7F, v28;
	v29 =	vand.u32 $0x1C00, v29  }
0x10b: {  	v13 =	vld.idx.msk [tilespmem:v13+s6+$0x0], $0xffff;
	v31 =	vand.u32 $0x7F, v30;
	v30 =	vshll.u32 v30, $0x3;
	v32 =	vor.u32 v28, v11  }
0x10c: {  	v30 =	vand.u32 $0x1C00, v30;
	v33 =	vor.u32 v31, v11;
	v32 =	vor.u32 v29, v32;
	v15 =	vld.idx.msk [tilespmem:v15+s6+$0x0], $0xffff  }
0x10d: {  	v17 =	vor.u32 v17, v18;
	v14 =	vor.u32 v4, v14;
	v33 =	vor.u32 v30, v33;
	v25 =	vld.idx.msk [tilespmem:v25+s6+$0x0], $0xffff  }
0x10e: {  	v18 =	vadd.s32 s5, v3;
	v16 =	vor.u32 v16, v19;
	v17 =	vor.u32 v4, v17;
	v21 =	vld.idx.msk [tilespmem:v21+s6+$0x0], $0xffff  }
0x10f: {  	v22 =	vor.u32 v22, v23;
	v19 =	vand.u32 $0x7F, v18;
	v16 =	vor.u32 v4, v16;
	v27 =	vld.idx.msk [tilespmem:v27+s6+$0x0], $0xffff  }
0x110: {  	v20 =	vor.u32 v20, v24;
	v18 =	vshll.u32 v18, $0x3;
	v22 =	vor.u32 v4, v22;
	v23 =	vld.idx.msk [tilespmem:v26+s6+$0x0], $0xffff  }
0x111: {  	v20 =	vor.u32 v4, v20;
	[tilespmem:v12+s19+$0x0] =	vst.idx.msk $0xffff, v13;
	v24 =	vld.idx.msk [tilespmem:v32+s6+$0x0], $0xffff;
	v12 =	vor.u32 v28, v29  }
0x112: {  	v13 =	vor.u32 v31, v30;
	v26 =	vld.idx.msk [tilespmem:v33+s6+$0x0], $0xffff;
	v28 =	vor.u32 v4, v12;
	[tilespmem:v14+s19+$0x0] =	vst.idx.msk $0xffff, v15  }
0x113: {  	s1 =	sadd.s32 $0x7, s5;
	v12 =	vand.u32 $0x1C00, v18;
	v14 =	vor.u32 v19, v11;
	v29 =	vor.u32 v4, v13;
	[tilespmem:v17+s19+$0x0] =	vst.idx.msk $0xffff, v25  }
0x114: {  	v13 =	vor.u32 v12, v14;
	v12 =	vor.u32 v19, v12;
	v14 =	vadd.s32 s1, v3;
	[tilespmem:v16+s19+$0x0] =	vst.idx.msk $0xffff, v21  }
0x115: {  	s1 =	sadd.s32 $0x6, s5;
	v12 =	vor.u32 v4, v12;
	v16 =	vand.u32 $0x7F, v14;
	v14 =	vshll.u32 v14, $0x3;
	[tilespmem:v22+s19+$0x0] =	vst.idx.msk $0xffff, v27  }
0x116: {  	v17 =	vadd.s32 s1, v3;
	v14 =	vand.u32 $0x1C00, v14;
	v15 =	vor.u32 v16, v11;
	[tilespmem:v20+s19+$0x0] =	vst.idx.msk $0xffff, v23  }
0x117: {  	s1 =	sadd.s32 $0x5, s5;
	v18 =	vshll.u32 v17, $0x3;
	v15 =	vor.u32 v14, v15;
	v14 =	vor.u32 v16, v14;
	[tilespmem:v28+s19+$0x0] =	vst.idx.msk $0xffff, v24  }
0x118: {  	v19 =	vadd.s32 s1, v3;
	v17 =	vand.u32 $0x7F, v17;
	v18 =	vand.u32 $0x1C00, v18;
	[tilespmem:v29+s19+$0x0] =	vst.idx.msk $0xffff, v26  }
0x119: {  	s1 =	sadd.s32 $0x4, s5;
	v16 =	vand.u32 $0x7F, v19;
	v19 =	vshll.u32 v19, $0x3;
	v20 =	vor.u32 v17, v11  }
0x11a: {  	v22 =	vadd.s32 s1, v3;
	v19 =	vand.u32 $0x1C00, v19;
	v21 =	vor.u32 v16, v11  }
.Ltmp7:
0x11b: {  	s1 =	sadd.s32 $0x3, s5;
	v23 =	vshll.u32 v22, $0x3;
	v25 =	vor.u32 v18, v20;
	v21 =	vor.u32 v19, v21;
	(pc) =	sbr.rel @p4 .LBB2_7-.Ltmp7, $4  }
0x11c: {  	v24 =	vadd.s32 s1, v3;
	v22 =	vand.u32 $0x7F, v22;
	v23 =	vand.u32 $0x1C00, v23  }
0x11d: {  	s1 =	sadd.s32 $0x2, s5;
	v20 =	vand.u32 $0x7F, v24;
	v24 =	vshll.u32 v24, $0x3;
	v27 =	vor.u32 v22, v11  }
0x11e: {  	v28 =	vadd.s32 s1, v3;
	v24 =	vand.u32 $0x1C00, v24;
	v26 =	vor.u32 v20, v11  }
0x11f: {  	s1 =	sadd.s32 $0x1, s5;
	s5 =	sadd.s32 $0x8, s5;
	v29 =	vshll.u32 v28, $0x3;
	v27 =	vor.u32 v23, v27;
	v26 =	vor.u32 v24, v26  }
0x120: {  	_ =	sdelay $0x1  }
0x121: {  	v30 =	vadd.s32 s1, v3;
	v28 =	vand.u32 $0x7F, v28  }
0x122: {  	v29 =	vand.u32 $0x1C00, v29;
	v17 =	vor.u32 v17, v18;
	v14 =	vor.u32 v4, v14  }
0x123: {  	v13 =	vld.idx.msk [tilespmem:v13+s6+$0x0], $0xffff;
	v31 =	vand.u32 $0x7F, v30;
	v30 =	vshll.u32 v30, $0x3;
	v32 =	vor.u32 v28, v11  }
0x124: {  	v15 =	vld.idx.msk [tilespmem:v15+s6+$0x0], $0xffff;
	v30 =	vand.u32 $0x1C00, v30;
	v11 =	vor.u32 v31, v11;
	v32 =	vor.u32 v29, v32  }
0x125: {  	v53 =	vld.idx.msk [tilespmem:v25+s6+$0x0], $0xffff;
	v16 =	vor.u32 v16, v19;
	v17 =	vor.u32 v4, v17;
	v11 =	vor.u32 v30, v11  }
0x126: {  	v54 =	vld.idx.msk [tilespmem:v21+s6+$0x0], $0xffff;
	v55 =	vor.u32 v22, v23;
	v16 =	vor.u32 v4, v16  }
0x127: {  	v56 =	vld.idx.msk [tilespmem:v27+s6+$0x0], $0xffff;
	v20 =	vor.u32 v20, v24;
	v21 =	vor.u32 v4, v55  }
0x128: {  	v57 =	vld.idx.msk [tilespmem:v26+s6+$0x0], $0xffff;
	v58 =	vor.u32 v28, v29;
	v59 =	vor.u32 v4, v20;
	[tilespmem:v12+s19+$0x0] =	vst.idx.msk $0xffff, v13  }
0x129: {  	v61 =	vor.u32 v31, v30;
	v12 =	vor.u32 v4, v58;
	[tilespmem:v14+s19+$0x0] =	vst.idx.msk $0xffff, v15;
	v60 =	vld.idx.msk [tilespmem:v32+s6+$0x0], $0xffff  }
0x12a: {  	v62 =	vor.u32 v4, v61;
	[tilespmem:v17+s19+$0x0] =	vst.idx.msk $0xffff, v53;
	v11 =	vld.idx.msk [tilespmem:v11+s6+$0x0], $0xffff  }
0x12b: {  	[tilespmem:v16+s19+$0x0] =	vst.idx.msk $0xffff, v54  }
0x12c: {  	[tilespmem:v21+s19+$0x0] =	vst.idx.msk $0xffff, v56  }
0x12d: {  	[tilespmem:v59+s19+$0x0] =	vst.idx.msk $0xffff, v57  }
0x12e: {  	[tilespmem:v12+s19+$0x0] =	vst.idx.msk $0xffff, v60  }
0x12f: {  	[tilespmem:v62+s19+$0x0] =	vst.idx.msk $0xffff, v11  }
0x130: {  	v11 =	vld [tilespmem:$0x1CD80];
	_ =	sdelay $0x4  }
0x131: {  	v63 =	vshll.u32 v11, $0x3  }
0x132: {  	v11 =	vand.u32 $0x7, v11;
	v12 =	vand.u32 $0xFFFFFFC0, v63  }
0x133: {  	v11 =	vor.u32 v11, v12  }
0x134: {  	v12 =	vperm.xlane v11, v5;
	_ =	sdelay $0x1  }
0x135: {  	v12 =	vadd.s32 v6, v12;
	_ =	sdelay $0x3  }
0x136: {  	s11 =	rddreg [dreg:$0x3]  }
0x137: {  	[hbm4b:s11+s6] =	stream.indirect_vreg.scatter [tilespmem:s19], [sflag:$0x4], $0x80, v12, vm0, $0xb8;
	[tilespmem:$0x1CF00] =	vst v63  }
0x138: {  	s3 =	simm.s32 $0x11400;
	v11 =	vperm.xlane v11, v7  }
0x139: {  	[hbm4b:s8+s6] =	stream.indirect_vreg.scatter [tilespmem:s3], [sflag:$0x4], $0x80, v12, vm0, $0xb8;
	[tilespmem:$0x1CF00] =	vst v63  }
0x13a: {  	s20 =	simm.s32 $0x11C00;
	v11 =	vadd.s32 v6, v11  }
0x13b: {  	[hbm4b:s9+s6] =	stream.indirect_vreg.scatter [tilespmem:s20], [sflag:$0x4], $0x80, v12, vm0, $0xb8;
	[tilespmem:$0x1CF00] =	vst v63  }
0x13c: {  	s21 =	simm.s32 $0x12400  }
0x13d: {  	[hbm4b:s10+s6] =	stream.indirect_vreg.scatter [tilespmem:s21], [sflag:$0x4], $0x80, v12, vm0, $0xb8;
	[tilespmem:$0x1CF00] =	vst v63  }
0x13e: {  	s24 =	simm.s32 $0x12C00  }
0x13f: {  	[hbm4b:s11+s6] =	stream.indirect_vreg.scatter [tilespmem:s24], [sflag:$0x4], $0x80, v11, vm0, $0xb8;
	[tilespmem:$0x1CF00] =	vst v63  }
0x140: {  	s29 =	simm.s32 $0x13400  }
0x141: {  	[hbm4b:s8+s6] =	stream.indirect_vreg.scatter [tilespmem:s29], [sflag:$0x4], $0x80, v11, vm0, $0xb8;
	[tilespmem:$0x1CF00] =	vst v63  }
0x142: {  	s30 =	simm.s32 $0x13C00  }
0x143: {  	[hbm4b:s9+s6] =	stream.indirect_vreg.scatter [tilespmem:s30], [sflag:$0x4], $0x80, v11, vm0, $0xb8;
	[tilespmem:$0x1CF00] =	vst v63  }
0x144: {  	s31 =	simm.s32 $0x14400  }
0x145: {  	[hbm4b:s10+s6] =	stream.indirect_vreg.scatter [tilespmem:s31], [sflag:$0x4], $0x80, v11, vm0, $0xb8;
	[tilespmem:$0x1CF00] =	vst v63  }
.LBB2_9:
0x146: {  	p0 =	slt.s32 s14, s26  }
0x147: {  	p0 =	por !p0, !p1  }
0x148: {  	p1 =	por !p0, !p0  }
0x149: {  	s1 =	sshll.u32 @p1 s2, $0x4  }
0x14a: {  	s1 =	sadd.s32 @p1 s25, s1  }
0x14b: {  	p0 =	slt.s32 @p1 s1, $0x3F0  }
0x14c: {  	p0 =	por !p0, !p1  }
0x14d: {  	s1 =	simm.s32 @p0 $0x3F0  }
0x14e: {  	v11 =	vld @p1 [tilespmem:s1+$0x10400];
	_ =	sdelay $0x1  }
0x14f: {  	v12 =	vlaneseq.u32 @p1;
	s1 =	ssub.s32 @p1 s25, s1  }
0x150: {  	v14 =	vadd.s32 @p1 $0x1, v12;
	v13 =	vmov @p1 s1  }
0x151: {  	vm1 =	vlt.s32 @p1 v13, v14  }
0x152: {  	v11 =	vsel @p1 vm1, v11, v10  }
0x153: {  	[tilespmem:$0x1CC00] =	vst @p1 v11  }
0x154: {  	v13 =	vld @p1 [tilespmem:$0x1CC00];
	_ =	sdelay $0x4  }
0x155: {  	v14 =	vshll.u32 @p1 v13, $0x3  }
0x156: {  	v13 =	vand.u32 @p1 $0x7, v13;
	v14 =	vand.u32 @p1 $0xFFFFFFC0, v14  }
0x157: {  	v15 =	vshrl.u32 @p1 v12, $0x3;
	v13 =	vor.u32 @p1 v13, v14;
	v14 =	vand.u32 @p1 $0x7, v12  }
0x158: {  	v15 =	vmul.u32 @p1 $0x8, v15;
	v14 =	vperm.xlane @p1 v13, v14;
	_ =	sdelay $0x1  }
0x159: {  	v14 =	vadd.s32 @p1 v15, v14;
	_ =	sdelay $0x3  }
0x15a: {  	s2 =	simm.s32 @p1 $0x10C00;
	s1 =	simm.s32 @p1 $0x0;
	vm1 =	vmmov @p1 $0xffff;
	[tilespmem:$0x1CD80] =	vst @p1 v11  }
0x15b: {  	v11 =	vor.u32 @p1 $0x8, v12;
	[tilespmem:s2], [sflag:$0x1] =	stream.indirect_vreg.gather @p1 [hbm4b:s23+s1], $0x80, v14, vm1, $0xb8;
	[tilespmem:$0x1CF00] =	vst v63  }
0x15c: {  	v11 =	vperm.xlane @p1 v13, v11;
	s2 =	simm.s32 @p1 $0x11400  }
0x15d: {  	[tilespmem:s2], [sflag:$0x1] =	stream.indirect_vreg.gather @p1 [hbm4b:s22+s1], $0x80, v14, vm1, $0xb8;
	[tilespmem:$0x1CF00] =	vst v63  }
0x15e: {  	v11 =	vadd.s32 @p1 v15, v11;
	s2 =	simm.s32 @p1 $0x11C00  }
0x15f: {  	[tilespmem:s2], [sflag:$0x1] =	stream.indirect_vreg.gather @p1 [hbm4b:s12+s1], $0x80, v14, vm1, $0xb8;
	[tilespmem:$0x1CF00] =	vst v63  }
0x160: {  	s2 =	simm.s32 @p1 $0x12400  }
0x161: {  	[tilespmem:s2], [sflag:$0x1] =	stream.indirect_vreg.gather @p1 [hbm4b:s13+s1], $0x80, v14, vm1, $0xb8;
	[tilespmem:$0x1CF00] =	vst v63  }
0x162: {  	s2 =	simm.s32 @p1 $0x12C00  }
0x163: {  	[tilespmem:s2], [sflag:$0x1] =	stream.indirect_vreg.gather @p1 [hbm4b:s23+s1], $0x80, v11, vm1, $0xb8;
	[tilespmem:$0x1CF00] =	vst v63  }
0x164: {  	s2 =	simm.s32 @p1 $0x13400  }
0x165: {  	[tilespmem:s2], [sflag:$0x1] =	stream.indirect_vreg.gather @p1 [hbm4b:s22+s1], $0x80, v11, vm1, $0xb8;
	[tilespmem:$0x1CF00] =	vst v63  }
0x166: {  	s2 =	simm.s32 @p1 $0x13C00  }
0x167: {  	[tilespmem:s2], [sflag:$0x1] =	stream.indirect_vreg.gather @p1 [hbm4b:s12+s1], $0x80, v11, vm1, $0xb8;
	[tilespmem:$0x1CF00] =	vst v63  }
0x168: {  	s31 =	sld [smem:$0x7FD];
	s2 =	simm.s32 @p1 $0x14400  }
0x169: {  	[tilespmem:s2], [sflag:$0x1] =	stream.indirect_vreg.gather @p1 [hbm4b:s13+s1], $0x80, v11, vm1, $0xb8;
	[tilespmem:$0x1CF00] =	vst v63  }
0x16a: {  	s2 =	sadd.s32 $0x1, s14  }
0x16b: {  	p4 =	seq.s32 s0, $0x1;
	p6 =	seq.s32 s31, $0x1;
	p5 =	slt.s32 s2, s4  }
0x16c: {  	p4 =	por @!p5 p6, p6  }
0x16d: {  	s1 =	rddreg [dreg:$0x9];
	p6 =	sge.s32 s2, s26;
	p4 =	por !p4, !p4  }
0x16e: {  	p0 =	sge.s32 @!p3 s14, s1;
	p6 =	por p6, p4  }
.Ltmp8:
0x16f: {  	p0 =	por p0, p3;
	(pc) =	sbr.rel @p6 .LBB2_13-.Ltmp8, $4  }
0x170: {  	s3 =	simm.s32 @!p0 $0x5  }
0x171: {  	_ =	swait.ge @!p0 [sflag:s3], $0x4000  }
0x172: {  	s1 =	sshrl.u32 s2, $0x1;
	s0 =	ssub.s32 s2, s15;
	[sflag:s3] =	ssyncset.done @!p0 $0x0  }
0x173: {  	s0 =	smov.u32 @p5 s1;
	[sflag:s3] =	ssyncadd.s32 @!p0 $0xFFFFC000  }
0x174: {  	s1 =	sshll.u32 s0, $0x4;
	s3 =	rddreg [dreg:$0xa]  }
0x175: {  	p0 =	slt.s32 s1, s3  }
0x176: {  	s3 =	smov.u32 @p0 s1  }
0x177: {  	s11 =	simm.s32 $0x0;
	s21 =	simm.s32 $0x6;
	v11 =	vld [tilespmem:s3+$0x10800]  }
0x178: {  	s24 =	simm.s32 $0x5;
	s29 =	simm.s32 $0x4;
	s30 =	simm.s32 $0x3;
	v14 =	vadd.s32 s11, v3;
	v17 =	vadd.s32 s21, v3  }
0x179: {  	s31 =	simm.s32 $0x2;
	v19 =	vadd.s32 s24, v3;
	v22 =	vadd.s32 s29, v3;
	v24 =	vadd.s32 s30, v3;
	s1 =	ssub.s32 s25, s3  }
0x17a: {  	v28 =	vadd.s32 s31, v3;
	v15 =	vand.u32 $0x7F, v14;
	v12 =	vmov s1  }
0x17b: {  	v18 =	vshll.u32 v17, $0x3;
	v17 =	vand.u32 $0x7F, v17;
	vm2 =	vgt.s32 v12, v1;
	v12 =	vld [tilespmem:s3+$0x10400]  }
0x17c: {  	v23 =	vshll.u32 v22, $0x3;
	v22 =	vand.u32 $0x7F, v22;
	v11 =	vsel vm2, v11, v8  }
0x17d: {  	v29 =	vshll.u32 v28, $0x3;
	v13 =	vshll.u32 v11, $0xA;
	v11 =	vshll.u32 v11, $0x7  }
0x17e: {  	v18 =	vand.u32 $0x1C00, v18;
	v13 =	vand.u32 $0xFFFFE000, v13;
	v11 =	vand.u32 $0x380, v11  }
0x17f: {  	s20 =	simm.s32 $0x7;
	v23 =	vand.u32 $0x1C00, v23;
	v11 =	vor.u32 v13, v11;
	v13 =	vshll.u32 v14, $0x3  }
0x180: {  	v26 =	vsel vm2, v12, v9;
	v14 =	vadd.s32 s20, v3;
	v12 =	vand.u32 $0x1C00, v13  }
0x181: {  	v13 =	vor.u32 v15, v11;
	v16 =	vand.u32 $0x7F, v14;
	v14 =	vshll.u32 v14, $0x3  }
0x182: {  	v20 =	vor.u32 v17, v11;
	v27 =	vor.u32 v22, v11;
	v13 =	vor.u32 v12, v13  }
0x183: {  	v12 =	vor.u32 v15, v12;
	v14 =	vand.u32 $0x1C00, v14;
	v15 =	vor.u32 v16, v11  }
0x184: {  	v25 =	vor.u32 v18, v20;
	v20 =	vand.u32 $0x7F, v24;
	v24 =	vshll.u32 v24, $0x3  }
0x185: {  	v27 =	vor.u32 v23, v27;
	v15 =	vor.u32 v14, v15;
	v14 =	vor.u32 v16, v14  }
0x186: {  	v16 =	vand.u32 $0x7F, v19;
	v19 =	vshll.u32 v19, $0x3;
	v24 =	vand.u32 $0x1C00, v24  }
0x187: {  	v30 =	vor.u32 v20, v11;
	v19 =	vand.u32 $0x1C00, v19;
	v21 =	vor.u32 v16, v11  }
0x188: {  	s5 =	simm.s32 $0x8;
	s1 =	simm.s32 $0x1;
	[tilespmem:$0x1CE00] =	vst v26;
	v12 =	vor.u32 v4, v12;
	v26 =	vor.u32 v24, v30;
	v21 =	vor.u32 v19, v21  }
.LBB2_11:
0x189: {  	p5 =	slt.u32 s5, $0x3F8;
	v30 =	vadd.s32 s1, v3;
	v28 =	vand.u32 $0x7F, v28;
	v29 =	vand.u32 $0x1C00, v29  }
0x18a: {  	v13 =	vld.idx.msk [tilespmem:v13+s6+$0x0], $0xffff;
	v31 =	vand.u32 $0x7F, v30;
	v30 =	vshll.u32 v30, $0x3;
	v32 =	vor.u32 v28, v11  }
0x18b: {  	v30 =	vand.u32 $0x1C00, v30;
	v33 =	vor.u32 v31, v11;
	v32 =	vor.u32 v29, v32;
	v15 =	vld.idx.msk [tilespmem:v15+s6+$0x0], $0xffff  }
0x18c: {  	v17 =	vor.u32 v17, v18;
	v14 =	vor.u32 v4, v14;
	v33 =	vor.u32 v30, v33;
	v25 =	vld.idx.msk [tilespmem:v25+s6+$0x0], $0xffff  }
0x18d: {  	v18 =	vadd.s32 s5, v3;
	v16 =	vor.u32 v16, v19;
	v17 =	vor.u32 v4, v17;
	v21 =	vld.idx.msk [tilespmem:v21+s6+$0x0], $0xffff  }
0x18e: {  	v22 =	vor.u32 v22, v23;
	v19 =	vand.u32 $0x7F, v18;
	v16 =	vor.u32 v4, v16;
	v27 =	vld.idx.msk [tilespmem:v27+s6+$0x0], $0xffff  }
0x18f: {  	v20 =	vor.u32 v20, v24;
	v18 =	vshll.u32 v18, $0x3;
	v22 =	vor.u32 v4, v22;
	v23 =	vld.idx.msk [tilespmem:v26+s6+$0x0], $0xffff  }
0x190: {  	v20 =	vor.u32 v4, v20;
	[tilespmem:v12+s28+$0x0] =	vst.idx.msk $0xffff, v13;
	v24 =	vld.idx.msk [tilespmem:v32+s6+$0x0], $0xffff;
	v12 =	vor.u32 v28, v29  }
0x191: {  	v13 =	vor.u32 v31, v30;
	v26 =	vld.idx.msk [tilespmem:v33+s6+$0x0], $0xffff;
	v28 =	vor.u32 v4, v12;
	[tilespmem:v14+s28+$0x0] =	vst.idx.msk $0xffff, v15  }
0x192: {  	s1 =	sadd.s32 $0x7, s5;
	v12 =	vand.u32 $0x1C00, v18;
	v14 =	vor.u32 v19, v11;
	v29 =	vor.u32 v4, v13;
	[tilespmem:v17+s28+$0x0] =	vst.idx.msk $0xffff, v25  }
0x193: {  	v13 =	vor.u32 v12, v14;
	v12 =	vor.u32 v19, v12;
	v14 =	vadd.s32 s1, v3;
	[tilespmem:v16+s28+$0x0] =	vst.idx.msk $0xffff, v21  }
0x194: {  	s1 =	sadd.s32 $0x6, s5;
	v12 =	vor.u32 v4, v12;
	v16 =	vand.u32 $0x7F, v14;
	v14 =	vshll.u32 v14, $0x3;
	[tilespmem:v22+s28+$0x0] =	vst.idx.msk $0xffff, v27  }
0x195: {  	v17 =	vadd.s32 s1, v3;
	v14 =	vand.u32 $0x1C00, v14;
	v15 =	vor.u32 v16, v11;
	[tilespmem:v20+s28+$0x0] =	vst.idx.msk $0xffff, v23  }
0x196: {  	s1 =	sadd.s32 $0x5, s5;
	v18 =	vshll.u32 v17, $0x3;
	v15 =	vor.u32 v14, v15;
	v14 =	vor.u32 v16, v14;
	[tilespmem:v28+s28+$0x0] =	vst.idx.msk $0xffff, v24  }
0x197: {  	v19 =	vadd.s32 s1, v3;
	v17 =	vand.u32 $0x7F, v17;
	v18 =	vand.u32 $0x1C00, v18;
	[tilespmem:v29+s28+$0x0] =	vst.idx.msk $0xffff, v26  }
0x198: {  	s1 =	sadd.s32 $0x4, s5;
	v16 =	vand.u32 $0x7F, v19;
	v19 =	vshll.u32 v19, $0x3;
	v20 =	vor.u32 v17, v11  }
0x199: {  	v22 =	vadd.s32 s1, v3;
	v19 =	vand.u32 $0x1C00, v19;
	v21 =	vor.u32 v16, v11  }
.Ltmp9:
0x19a: {  	s1 =	sadd.s32 $0x3, s5;
	v23 =	vshll.u32 v22, $0x3;
	v25 =	vor.u32 v18, v20;
	v21 =	vor.u32 v19, v21;
	(pc) =	sbr.rel @p5 .LBB2_11-.Ltmp9, $4  }
0x19b: {  	v24 =	vadd.s32 s1, v3;
	v22 =	vand.u32 $0x7F, v22;
	v23 =	vand.u32 $0x1C00, v23  }
0x19c: {  	s1 =	sadd.s32 $0x2, s5;
	v20 =	vand.u32 $0x7F, v24;
	v24 =	vshll.u32 v24, $0x3;
	v27 =	vor.u32 v22, v11  }
0x19d: {  	v28 =	vadd.s32 s1, v3;
	v24 =	vand.u32 $0x1C00, v24;
	v26 =	vor.u32 v20, v11  }
0x19e: {  	s1 =	sadd.s32 $0x1, s5;
	s5 =	sadd.s32 $0x8, s5;
	v29 =	vshll.u32 v28, $0x3;
	v27 =	vor.u32 v23, v27;
	v26 =	vor.u32 v24, v26  }
0x19f: {  	_ =	sdelay $0x1  }
0x1a0: {  	v30 =	vadd.s32 s1, v3;
	v28 =	vand.u32 $0x7F, v28  }
0x1a1: {  	v29 =	vand.u32 $0x1C00, v29;
	v17 =	vor.u32 v17, v18;
	v14 =	vor.u32 v4, v14  }
0x1a2: {  	v13 =	vld.idx.msk [tilespmem:v13+s6+$0x0], $0xffff;
	v31 =	vand.u32 $0x7F, v30;
	v30 =	vshll.u32 v30, $0x3;
	v32 =	vor.u32 v28, v11  }
0x1a3: {  	v15 =	vld.idx.msk [tilespmem:v15+s6+$0x0], $0xffff;
	v30 =	vand.u32 $0x1C00, v30;
	v11 =	vor.u32 v31, v11;
	v32 =	vor.u32 v29, v32  }
0x1a4: {  	v53 =	vld.idx.msk [tilespmem:v25+s6+$0x0], $0xffff;
	v16 =	vor.u32 v16, v19;
	v17 =	vor.u32 v4, v17;
	v11 =	vor.u32 v30, v11  }
0x1a5: {  	v54 =	vld.idx.msk [tilespmem:v21+s6+$0x0], $0xffff;
	v55 =	vor.u32 v22, v23;
	v16 =	vor.u32 v4, v16  }
0x1a6: {  	v56 =	vld.idx.msk [tilespmem:v27+s6+$0x0], $0xffff;
	v20 =	vor.u32 v20, v24;
	v21 =	vor.u32 v4, v55  }
0x1a7: {  	v57 =	vld.idx.msk [tilespmem:v26+s6+$0x0], $0xffff;
	v58 =	vor.u32 v28, v29;
	v59 =	vor.u32 v4, v20;
	[tilespmem:v12+s28+$0x0] =	vst.idx.msk $0xffff, v13  }
0x1a8: {  	v61 =	vor.u32 v31, v30;
	v12 =	vor.u32 v4, v58;
	[tilespmem:v14+s28+$0x0] =	vst.idx.msk $0xffff, v15;
	v60 =	vld.idx.msk [tilespmem:v32+s6+$0x0], $0xffff  }
0x1a9: {  	v62 =	vor.u32 v4, v61;
	[tilespmem:v17+s28+$0x0] =	vst.idx.msk $0xffff, v53;
	v11 =	vld.idx.msk [tilespmem:v11+s6+$0x0], $0xffff  }
0x1aa: {  	[tilespmem:v16+s28+$0x0] =	vst.idx.msk $0xffff, v54  }
0x1ab: {  	[tilespmem:v21+s28+$0x0] =	vst.idx.msk $0xffff, v56  }
0x1ac: {  	[tilespmem:v59+s28+$0x0] =	vst.idx.msk $0xffff, v57  }
0x1ad: {  	[tilespmem:v12+s28+$0x0] =	vst.idx.msk $0xffff, v60  }
0x1ae: {  	[tilespmem:v62+s28+$0x0] =	vst.idx.msk $0xffff, v11  }
0x1af: {  	v11 =	vld [tilespmem:$0x1CE00];
	_ =	sdelay $0x4  }
0x1b0: {  	v63 =	vshll.u32 v11, $0x3  }
0x1b1: {  	v11 =	vand.u32 $0x7, v11;
	v12 =	vand.u32 $0xFFFFFFC0, v63  }
0x1b2: {  	v11 =	vor.u32 v11, v12  }
0x1b3: {  	v12 =	vperm.xlane v11, v5;
	_ =	sdelay $0x1  }
0x1b4: {  	v12 =	vadd.s32 v6, v12;
	_ =	sdelay $0x3  }
0x1b5: {  	s11 =	rddreg [dreg:$0x3]  }
0x1b6: {  	[hbm4b:s11+s6] =	stream.indirect_vreg.scatter [tilespmem:s28], [sflag:$0x5], $0x80, v12, vm0, $0xb8;
	[tilespmem:$0x1CF00] =	vst v63  }
0x1b7: {  	s3 =	simm.s32 $0x15400;
	v11 =	vperm.xlane v11, v7  }
0x1b8: {  	[hbm4b:s8+s6] =	stream.indirect_vreg.scatter [tilespmem:s3], [sflag:$0x5], $0x80, v12, vm0, $0xb8;
	[tilespmem:$0x1CF00] =	vst v63  }
0x1b9: {  	s20 =	simm.s32 $0x15C00;
	v11 =	vadd.s32 v6, v11  }
0x1ba: {  	[hbm4b:s9+s6] =	stream.indirect_vreg.scatter [tilespmem:s20], [sflag:$0x5], $0x80, v12, vm0, $0xb8;
	[tilespmem:$0x1CF00] =	vst v63  }
0x1bb: {  	s21 =	simm.s32 $0x16400  }
0x1bc: {  	[hbm4b:s10+s6] =	stream.indirect_vreg.scatter [tilespmem:s21], [sflag:$0x5], $0x80, v12, vm0, $0xb8;
	[tilespmem:$0x1CF00] =	vst v63  }
0x1bd: {  	s24 =	simm.s32 $0x16C00  }
0x1be: {  	[hbm4b:s11+s6] =	stream.indirect_vreg.scatter [tilespmem:s24], [sflag:$0x5], $0x80, v11, vm0, $0xb8;
	[tilespmem:$0x1CF00] =	vst v63  }
0x1bf: {  	s29 =	simm.s32 $0x17400  }
0x1c0: {  	[hbm4b:s8+s6] =	stream.indirect_vreg.scatter [tilespmem:s29], [sflag:$0x5], $0x80, v11, vm0, $0xb8;
	[tilespmem:$0x1CF00] =	vst v63  }
0x1c1: {  	s30 =	simm.s32 $0x17C00  }
0x1c2: {  	[hbm4b:s9+s6] =	stream.indirect_vreg.scatter [tilespmem:s30], [sflag:$0x5], $0x80, v11, vm0, $0xb8;
	[tilespmem:$0x1CF00] =	vst v63  }
0x1c3: {  	s31 =	simm.s32 $0x18400  }
0x1c4: {  	[hbm4b:s10+s6] =	stream.indirect_vreg.scatter [tilespmem:s31], [sflag:$0x5], $0x80, v11, vm0, $0xb8;
	[tilespmem:$0x1CF00] =	vst v63  }
.LBB2_13:
0x1c5: {  	p0 =	slt.s32 s2, s26  }
0x1c6: {  	p0 =	por !p0, !p4  }
0x1c7: {  	p4 =	por !p0, !p0  }
0x1c8: {  	s0 =	sshll.u32 @p4 s0, $0x4  }
0x1c9: {  	s0 =	sadd.s32 @p4 s25, s0  }
0x1ca: {  	p0 =	slt.s32 @p4 s0, $0x3F0  }
0x1cb: {  	p0 =	por !p0, !p4  }
0x1cc: {  	s0 =	simm.s32 @p0 $0x3F0  }
0x1cd: {  	v11 =	vld @p4 [tilespmem:s0+$0x10400];
	_ =	sdelay $0x1  }
0x1ce: {  	v13 =	vlaneseq.u32 @p4;
	s0 =	ssub.s32 @p4 s25, s0  }
0x1cf: {  	v14 =	vadd.s32 @p4 $0x1, v13;
	v12 =	vmov @p4 s0  }
0x1d0: {  	vm2 =	vlt.s32 @p4 v12, v14  }
0x1d1: {  	v14 =	vsel @p4 vm2, v11, v10  }
0x1d2: {  	[tilespmem:$0x1CC80] =	vst @p4 v14  }
0x1d3: {  	v11 =	vld @p4 [tilespmem:$0x1CC80];
	_ =	sdelay $0x4  }
0x1d4: {  	v12 =	vshll.u32 @p4 v11, $0x3  }
0x1d5: {  	v11 =	vand.u32 @p4 $0x7, v11;
	v12 =	vand.u32 @p4 $0xFFFFFFC0, v12  }
0x1d6: {  	v15 =	vor.u32 @p4 v11, v12;
	v12 =	vand.u32 @p4 $0x7, v13;
	v11 =	vshrl.u32 @p4 v13, $0x3  }
0x1d7: {  	v16 =	vperm.xlane @p4 v15, v12;
	v11 =	vmul.u32 @p4 $0x8, v11;
	_ =	sdelay $0x1  }
0x1d8: {  	v16 =	vadd.s32 @p4 v11, v16;
	_ =	sdelay $0x3  }
0x1d9: {  	s5 =	simm.s32 @p4 $0x0;
	s0 =	simm.s32 @p4 $0x14C00;
	vm2 =	vmmov @p4 $0xffff;
	[tilespmem:$0x1CE00] =	vst @p4 v14  }
0x1da: {  	v13 =	vor.u32 @p4 $0x8, v13;
	[tilespmem:s0], [sflag:$0x2] =	stream.indirect_vreg.gather @p4 [hbm4b:s23+s5], $0x80, v16, vm2, $0xb8;
	[tilespmem:$0x1CF00] =	vst v63  }
0x1db: {  	s29 =	sadd.s32 $0x2, s14;
	s31 =	sld [smem:$0x7FD];
	v14 =	vperm.xlane @p4 v15, v13;
	s0 =	simm.s32 @p4 $0x15400  }
0x1dc: {  	[tilespmem:s0], [sflag:$0x2] =	stream.indirect_vreg.gather @p4 [hbm4b:s22+s5], $0x80, v16, vm2, $0xb8;
	[tilespmem:$0x1CF00] =	vst v63  }
0x1dd: {  	p5 =	slt.s32 s29, s4;
	p0 =	sgt.s32 @!p3 s14, s26;
	v14 =	vadd.s32 @p4 v11, v14;
	s0 =	simm.s32 @p4 $0x15C00  }
0x1de: {  	[tilespmem:s0], [sflag:$0x2] =	stream.indirect_vreg.gather @p4 [hbm4b:s12+s5], $0x80, v16, vm2, $0xb8;
	[tilespmem:$0x1CF00] =	vst v63  }
0x1df: {  	p0 =	por p0, p3;
	p3 =	seq.s32 s31, $0x1;
	s0 =	simm.s32 @p4 $0x16400  }
0x1e0: {  	[tilespmem:s0], [sflag:$0x2] =	stream.indirect_vreg.gather @p4 [hbm4b:s13+s5], $0x80, v16, vm2, $0xb8;
	[tilespmem:$0x1CF00] =	vst v63  }
0x1e1: {  	p2 =	por @!p5 p3, p3;
	s0 =	simm.s32 @p4 $0x16C00  }
0x1e2: {  	[tilespmem:s0], [sflag:$0x2] =	stream.indirect_vreg.gather @p4 [hbm4b:s23+s5], $0x80, v14, vm2, $0xb8;
	[tilespmem:$0x1CF00] =	vst v63  }
0x1e3: {  	p6 =	sge.s32 s29, s26;
	p2 =	por !p2, !p2;
	s0 =	simm.s32 @p4 $0x17400  }
0x1e4: {  	[tilespmem:s0], [sflag:$0x2] =	stream.indirect_vreg.gather @p4 [hbm4b:s22+s5], $0x80, v14, vm2, $0xb8;
	[tilespmem:$0x1CF00] =	vst v63  }
0x1e5: {  	p3 =	por p6, p2;
	s0 =	simm.s32 @p4 $0x17C00  }
0x1e6: {  	[tilespmem:s0], [sflag:$0x2] =	stream.indirect_vreg.gather @p4 [hbm4b:s12+s5], $0x80, v14, vm2, $0xb8;
	[tilespmem:$0x1CF00] =	vst v63  }
.Ltmp10:
0x1e7: {  	s3 =	simm.s32 @!p0 $0x6;
	s0 =	simm.s32 @p4 $0x18400;
	(pc) =	sbr.rel @p3 .LBB2_17-.Ltmp10, $4  }
0x1e8: {  	[tilespmem:s0], [sflag:$0x2] =	stream.indirect_vreg.gather @p4 [hbm4b:s13+s5], $0x80, v14, vm2, $0xb8;
	[tilespmem:$0x1CF00] =	vst v63  }
0x1e9: {  	_ =	swait.ge @!p0 [sflag:s3], $0x4000  }
0x1ea: {  	s1 =	sshrl.u32 s29, $0x1;
	s14 =	ssub.s32 s29, s15;
	[sflag:s3] =	ssyncset.done @!p0 $0x0  }
0x1eb: {  	s14 =	smov.u32 @p5 s1;
	[sflag:s3] =	ssyncadd.s32 @!p0 $0xFFFFC000  }
0x1ec: {  	s1 =	sshll.u32 s14, $0x4;
	s3 =	rddreg [dreg:$0xa]  }
0x1ed: {  	p0 =	slt.s32 s1, s3  }
0x1ee: {  	s3 =	smov.u32 @p0 s1  }
0x1ef: {  	s20 =	simm.s32 $0x6;
	s21 =	simm.s32 $0x5;
	v14 =	vld [tilespmem:s3+$0x10800]  }
0x1f0: {  	s24 =	simm.s32 $0x4;
	s30 =	simm.s32 $0x3;
	s31 =	simm.s32 $0x2;
	v20 =	vadd.s32 s20, v3;
	v22 =	vadd.s32 s21, v3  }
0x1f1: {  	v25 =	vadd.s32 s24, v3;
	v27 =	vadd.s32 s30, v3;
	v31 =	vadd.s32 s31, v3;
	s1 =	ssub.s32 s25, s3  }
0x1f2: {  	v21 =	vshll.u32 v20, $0x3;
	v20 =	vand.u32 $0x7F, v20;
	v15 =	vmov s1  }
0x1f3: {  	v26 =	vshll.u32 v25, $0x3;
	v25 =	vand.u32 $0x7F, v25;
	vm3 =	vgt.s32 v15, v1;
	v15 =	vld [tilespmem:s3+$0x10400]  }
0x1f4: {  	v32 =	vshll.u32 v31, $0x3;
	v21 =	vand.u32 $0x1C00, v21;
	v14 =	vsel vm3, v14, v8  }
0x1f5: {  	v26 =	vand.u32 $0x1C00, v26;
	s3 =	simm.s32 $0x0;
	v16 =	vshll.u32 v14, $0xA;
	v14 =	vshll.u32 v14, $0x7  }
0x1f6: {  	v17 =	vadd.s32 s3, v3;
	v16 =	vand.u32 $0xFFFFE000, v16;
	v14 =	vand.u32 $0x380, v14  }
0x1f7: {  	s11 =	simm.s32 $0x7;
	v18 =	vand.u32 $0x7F, v17;
	v14 =	vor.u32 v16, v14;
	v16 =	vshll.u32 v17, $0x3  }
0x1f8: {  	v29 =	vsel vm3, v15, v9;
	v17 =	vadd.s32 s11, v3;
	v15 =	vand.u32 $0x1C00, v16  }
0x1f9: {  	v16 =	vor.u32 v18, v14;
	v19 =	vand.u32 $0x7F, v17;
	v17 =	vshll.u32 v17, $0x3  }
0x1fa: {  	v23 =	vor.u32 v20, v14;
	v30 =	vor.u32 v25, v14;
	v16 =	vor.u32 v15, v16  }
0x1fb: {  	v15 =	vor.u32 v18, v15;
	v17 =	vand.u32 $0x1C00, v17;
	v18 =	vor.u32 v19, v14  }
0x1fc: {  	v28 =	vor.u32 v21, v23;
	v23 =	vand.u32 $0x7F, v27;
	v27 =	vshll.u32 v27, $0x3  }
0x1fd: {  	v30 =	vor.u32 v26, v30;
	v18 =	vor.u32 v17, v18;
	v17 =	vor.u32 v19, v17  }
0x1fe: {  	v19 =	vand.u32 $0x7F, v22;
	v22 =	vshll.u32 v22, $0x3;
	v27 =	vand.u32 $0x1C00, v27  }
0x1ff: {  	v33 =	vor.u32 v23, v14;
	v22 =	vand.u32 $0x1C00, v22;
	v24 =	vor.u32 v19, v14  }
0x200: {  	s1 =	simm.s32 $0x8;
	s3 =	simm.s32 $0x1;
	[tilespmem:$0x1CE80] =	vst v29;
	v15 =	vor.u32 v4, v15;
	v29 =	vor.u32 v27, v33;
	v24 =	vor.u32 v22, v24  }
.LBB2_15:
0x201: {  	p3 =	slt.u32 s1, $0x3F8;
	v33 =	vadd.s32 s3, v3;
	v31 =	vand.u32 $0x7F, v31;
	v32 =	vand.u32 $0x1C00, v32  }
0x202: {  	v16 =	vld.idx.msk [tilespmem:v16+s6+$0x0], $0xffff;
	v34 =	vand.u32 $0x7F, v33;
	v33 =	vshll.u32 v33, $0x3;
	v35 =	vor.u32 v31, v14  }
0x203: {  	v33 =	vand.u32 $0x1C00, v33;
	v36 =	vor.u32 v34, v14;
	v35 =	vor.u32 v32, v35;
	v18 =	vld.idx.msk [tilespmem:v18+s6+$0x0], $0xffff  }
0x204: {  	v20 =	vor.u32 v20, v21;
	v17 =	vor.u32 v4, v17;
	v36 =	vor.u32 v33, v36;
	v28 =	vld.idx.msk [tilespmem:v28+s6+$0x0], $0xffff  }
0x205: {  	v21 =	vadd.s32 s1, v3;
	v19 =	vor.u32 v19, v22;
	v20 =	vor.u32 v4, v20;
	v24 =	vld.idx.msk [tilespmem:v24+s6+$0x0], $0xffff  }
0x206: {  	v25 =	vor.u32 v25, v26;
	v22 =	vand.u32 $0x7F, v21;
	v19 =	vor.u32 v4, v19;
	v30 =	vld.idx.msk [tilespmem:v30+s6+$0x0], $0xffff  }
0x207: {  	v23 =	vor.u32 v23, v27;
	v21 =	vshll.u32 v21, $0x3;
	v25 =	vor.u32 v4, v25;
	v26 =	vld.idx.msk [tilespmem:v29+s6+$0x0], $0xffff  }
0x208: {  	v23 =	vor.u32 v4, v23;
	[tilespmem:v15+s7+$0x0] =	vst.idx.msk $0xffff, v16;
	v27 =	vld.idx.msk [tilespmem:v35+s6+$0x0], $0xffff;
	v15 =	vor.u32 v31, v32  }
0x209: {  	v16 =	vor.u32 v34, v33;
	v29 =	vld.idx.msk [tilespmem:v36+s6+$0x0], $0xffff;
	v31 =	vor.u32 v4, v15;
	[tilespmem:v17+s7+$0x0] =	vst.idx.msk $0xffff, v18  }
0x20a: {  	s3 =	sadd.s32 $0x7, s1;
	v15 =	vand.u32 $0x1C00, v21;
	v17 =	vor.u32 v22, v14;
	v32 =	vor.u32 v4, v16;
	[tilespmem:v20+s7+$0x0] =	vst.idx.msk $0xffff, v28  }
0x20b: {  	v16 =	vor.u32 v15, v17;
	v15 =	vor.u32 v22, v15;
	v17 =	vadd.s32 s3, v3;
	[tilespmem:v19+s7+$0x0] =	vst.idx.msk $0xffff, v24  }
0x20c: {  	s3 =	sadd.s32 $0x6, s1;
	v15 =	vor.u32 v4, v15;
	v19 =	vand.u32 $0x7F, v17;
	v17 =	vshll.u32 v17, $0x3;
	[tilespmem:v25+s7+$0x0] =	vst.idx.msk $0xffff, v30  }
0x20d: {  	v20 =	vadd.s32 s3, v3;
	v17 =	vand.u32 $0x1C00, v17;
	v18 =	vor.u32 v19, v14;
	[tilespmem:v23+s7+$0x0] =	vst.idx.msk $0xffff, v26  }
0x20e: {  	s3 =	sadd.s32 $0x5, s1;
	v21 =	vshll.u32 v20, $0x3;
	v18 =	vor.u32 v17, v18;
	v17 =	vor.u32 v19, v17;
	[tilespmem:v31+s7+$0x0] =	vst.idx.msk $0xffff, v27  }
0x20f: {  	v22 =	vadd.s32 s3, v3;
	v20 =	vand.u32 $0x7F, v20;
	v21 =	vand.u32 $0x1C00, v21;
	[tilespmem:v32+s7+$0x0] =	vst.idx.msk $0xffff, v29  }
0x210: {  	s3 =	sadd.s32 $0x4, s1;
	v19 =	vand.u32 $0x7F, v22;
	v22 =	vshll.u32 v22, $0x3;
	v23 =	vor.u32 v20, v14  }
0x211: {  	v25 =	vadd.s32 s3, v3;
	v22 =	vand.u32 $0x1C00, v22;
	v24 =	vor.u32 v19, v14  }
.Ltmp11:
0x212: {  	s3 =	sadd.s32 $0x3, s1;
	v26 =	vshll.u32 v25, $0x3;
	v28 =	vor.u32 v21, v23;
	v24 =	vor.u32 v22, v24;
	(pc) =	sbr.rel @p3 .LBB2_15-.Ltmp11, $4  }
0x213: {  	v27 =	vadd.s32 s3, v3;
	v25 =	vand.u32 $0x7F, v25;
	v26 =	vand.u32 $0x1C00, v26  }
0x214: {  	s3 =	sadd.s32 $0x2, s1;
	v23 =	vand.u32 $0x7F, v27;
	v27 =	vshll.u32 v27, $0x3;
	v30 =	vor.u32 v25, v14  }
0x215: {  	v31 =	vadd.s32 s3, v3;
	v27 =	vand.u32 $0x1C00, v27;
	v29 =	vor.u32 v23, v14  }
0x216: {  	s3 =	sadd.s32 $0x1, s1;
	s1 =	sadd.s32 $0x8, s1;
	v32 =	vshll.u32 v31, $0x3;
	v30 =	vor.u32 v26, v30;
	v29 =	vor.u32 v27, v29  }
0x217: {  	_ =	sdelay $0x1  }
0x218: {  	v33 =	vadd.s32 s3, v3;
	v31 =	vand.u32 $0x7F, v31  }
0x219: {  	v32 =	vand.u32 $0x1C00, v32;
	v20 =	vor.u32 v20, v21;
	v17 =	vor.u32 v4, v17  }
0x21a: {  	v16 =	vld.idx.msk [tilespmem:v16+s6+$0x0], $0xffff;
	v34 =	vand.u32 $0x7F, v33;
	v33 =	vshll.u32 v33, $0x3;
	v35 =	vor.u32 v31, v14  }
0x21b: {  	v18 =	vld.idx.msk [tilespmem:v18+s6+$0x0], $0xffff;
	v33 =	vand.u32 $0x1C00, v33;
	v14 =	vor.u32 v34, v14;
	v35 =	vor.u32 v32, v35  }
0x21c: {  	v55 =	vld.idx.msk [tilespmem:v28+s6+$0x0], $0xffff;
	v19 =	vor.u32 v19, v22;
	v20 =	vor.u32 v4, v20;
	v14 =	vor.u32 v33, v14  }
0x21d: {  	v56 =	vld.idx.msk [tilespmem:v24+s6+$0x0], $0xffff;
	v57 =	vor.u32 v25, v26;
	v19 =	vor.u32 v4, v19  }
0x21e: {  	v58 =	vld.idx.msk [tilespmem:v30+s6+$0x0], $0xffff;
	v23 =	vor.u32 v23, v27;
	v24 =	vor.u32 v4, v57  }
0x21f: {  	v59 =	vld.idx.msk [tilespmem:v29+s6+$0x0], $0xffff;
	v60 =	vor.u32 v4, v23;
	[tilespmem:v15+s7+$0x0] =	vst.idx.msk $0xffff, v16;
	v15 =	vor.u32 v31, v32  }
0x220: {  	v62 =	vor.u32 v34, v33;
	[tilespmem:v17+s7+$0x0] =	vst.idx.msk $0xffff, v18;
	v15 =	vor.u32 v4, v15;
	v61 =	vld.idx.msk [tilespmem:v35+s6+$0x0], $0xffff  }
0x221: {  	v63 =	vor.u32 v4, v62;
	[tilespmem:v20+s7+$0x0] =	vst.idx.msk $0xffff, v55;
	v14 =	vld.idx.msk [tilespmem:v14+s6+$0x0], $0xffff  }
0x222: {  	[tilespmem:v19+s7+$0x0] =	vst.idx.msk $0xffff, v56  }
0x223: {  	[tilespmem:v24+s7+$0x0] =	vst.idx.msk $0xffff, v58  }
0x224: {  	[tilespmem:v60+s7+$0x0] =	vst.idx.msk $0xffff, v59  }
0x225: {  	[tilespmem:v15+s7+$0x0] =	vst.idx.msk $0xffff, v61  }
0x226: {  	[tilespmem:v63+s7+$0x0] =	vst.idx.msk $0xffff, v14  }
0x227: {  	v14 =	vld [tilespmem:$0x1CE80];
	_ =	sdelay $0x4  }
0x228: {  	v15 =	vshll.u32 v14, $0x3  }
0x229: {  	v14 =	vand.u32 $0x7, v14;
	v15 =	vand.u32 $0xFFFFFFC0, v15  }
0x22a: {  	v14 =	vor.u32 v14, v15  }
0x22b: {  	v15 =	vperm.xlane v14, v5;
	_ =	sdelay $0x1  }
0x22c: {  	v15 =	vadd.s32 v6, v15;
	_ =	sdelay $0x3  }
0x22d: {  	s1 =	rddreg [dreg:$0x3]  }
0x22e: {  	[hbm4b:s1+s6] =	stream.indirect_vreg.scatter [tilespmem:s7], [sflag:$0x6], $0x80, v15, vm0, $0xb8;
	[tilespmem:$0x1CF00] =	vst v63  }
0x22f: {  	s2 =	simm.s32 $0x19400;
	v14 =	vperm.xlane v14, v7  }
0x230: {  	[hbm4b:s8+s6] =	stream.indirect_vreg.scatter [tilespmem:s2], [sflag:$0x6], $0x80, v15, vm0, $0xb8;
	[tilespmem:$0x1CF00] =	vst v63  }
0x231: {  	s11 =	simm.s32 $0x19C00;
	v14 =	vadd.s32 v6, v14  }
0x232: {  	[hbm4b:s9+s6] =	stream.indirect_vreg.scatter [tilespmem:s11], [sflag:$0x6], $0x80, v15, vm0, $0xb8;
	[tilespmem:$0x1CF00] =	vst v63  }
0x233: {  	s20 =	simm.s32 $0x1A400  }
0x234: {  	[hbm4b:s10+s6] =	stream.indirect_vreg.scatter [tilespmem:s20], [sflag:$0x6], $0x80, v15, vm0, $0xb8;
	[tilespmem:$0x1CF00] =	vst v63  }
0x235: {  	s21 =	simm.s32 $0x1AC00  }
0x236: {  	[hbm4b:s1+s6] =	stream.indirect_vreg.scatter [tilespmem:s21], [sflag:$0x6], $0x80, v14, vm0, $0xb8;
	[tilespmem:$0x1CF00] =	vst v63  }
0x237: {  	s24 =	simm.s32 $0x1B400  }
0x238: {  	[hbm4b:s8+s6] =	stream.indirect_vreg.scatter [tilespmem:s24], [sflag:$0x6], $0x80, v14, vm0, $0xb8;
	[tilespmem:$0x1CF00] =	vst v63  }
.Ltmp12:
0x239: {  	_ = 	snop;
	(pc) =	sbr.rel .LBB2_17-.Ltmp12, $4  }
0x23a: {  	s30 =	simm.s32 $0x1BC00  }
0x23b: {  	[hbm4b:s9+s6] =	stream.indirect_vreg.scatter [tilespmem:s30], [sflag:$0x6], $0x80, v14, vm0, $0xb8;
	[tilespmem:$0x1CF00] =	vst v63  }
0x23c: {  	s31 =	simm.s32 $0x1C400  }
0x23d: {  	[hbm4b:s10+s6] =	stream.indirect_vreg.scatter [tilespmem:s31], [sflag:$0x6], $0x80, v14, vm0, $0xb8;
	[tilespmem:$0x1CF00] =	vst v63  }
.LBB2_19:
0x23e: {  	_ =	sfence.sel $0x180000  }
0x23f: {  	[bflag:$0x0] =	sbarrier.arrive $0xFFFF  }
0x240: {  	_ =	strace $0x90000047  }
0x241: {  	s0 =	stileid.u32;
	[bflag:$0x2] =	sbarrier.arrive $0xFFFF  }
0x242: {  	p0 =	sne.s32 s0, $0x0;
	s0 =	rddreg [dreg:$0x4]  }
0x243: {  	s0 =	sadd.s32 @!p0 $0x100000, s0  }
0x244: {  	[sflag:s0] =	ssyncadd.tile.s32 @!p0 $0x1;
	_ =	shalt  }
.Lfunc_end2:
_tile_overlayer_lowered:
.L_overlay_start_2:
0x245: {  	(tag) =	ssettag $0x2  }
0x246: {  	s0 =	rddreg [dreg:$0x0];
	s2 =	stileid.u32  }
0x247: {  	s1 =	rddreg [dreg:$0x1];
	p0 =	sne.s32 s2, $0x0  }
0x248: {  	s3 =	rddreg [dreg:$0x2];
	[bflag:$0x3] =	sbarrier.arrive $0xFFFF;
	s2 =	simm.s32 @!p0 $0x1C07  }
0x249: {  	[timem:s3], [sflag:s2] =	dma.local @!p0 [hbm:s0], s1  }
0x24a: {  	s0 =	simm.s32 @!p0 $0x7  }
0x24b: {  	_ =	swait.ge @!p0 [sflag:s0], s1  }
0x24c: {  	s1 =	ssub.s32 @!p0 $0x0, s1;
	[sflag:s0] =	ssyncset.done @!p0 $0x0  }
0x24d: {  	[sflag:s0] =	ssyncadd.s32 @!p0 s1  }
0x24e: {  	[bflag:$0x3] =	sbarrier.arrive $0xFFFF  }
0x24f: {  	_ =	shalt  }

</sc_bundles>
